<compile_context>
chip_gen: v7x
topology: tpu7x:2x2x1
jax: 0.10.2.dev20260603
libtpu: 0.0.44.dev20260713+nightly
codegen_flags: <defaults>
</compile_context>

<pallas_src>
import jax
import jax.numpy as jnp
from jax import lax
from jax.experimental import pallas as pl
from jax.experimental.pallas import tpu as pltpu
from jax.experimental.pallas import tpu_sc as plsc

B = 1024
IN = 128
OUT = 128
E = 64
CP = 128

NC = 2
NS = 16
NW = NC * NS
B_PER_W = B // NW
C_PER_W = B_PER_W * CP


def _sc_routing_body(gt_ref, c_ref, gvm, cvm):
    wid = lax.axis_index("s") * NC + lax.axis_index("c")
    base = wid * B_PER_W

    pltpu.sync_copy(gt_ref.at[pl.ds(base * 3, B_PER_W * 3)], gvm)

    def zero_body(i, carry):
        for u in range(8):
            cvm[pl.ds(i * 128 + u * 16, 16)] = jnp.zeros((16,), jnp.float32)
        return carry

    lax.fori_loop(0, C_PER_W // 128, zero_body, 0)

    for k in range(B_PER_W // 16):
        tl = lax.iota(jnp.int32, 16) + k * 16
        g = [plsc.load_gather(gvm, [tl * 3 + j]) for j in range(3)]
        one = jnp.float32(1.0)
        zero = jnp.float32(0.0)
        cnt = sum(jnp.where(gj != 0, one, zero) for gj in g)
        recip = 1.0 / jnp.maximum(cnt, 1.0)
        for j in range(3):
            val = jnp.where(g[j] != 0, recip, zero)
            plsc.addupdate_scatter(cvm, [tl * CP + g[j]], val)

    pltpu.sync_copy(cvm, c_ref.at[pl.ds(base * CP, C_PER_W)])


def _sc_routing(genres_t):
    mesh = plsc.VectorSubcoreMesh(core_axis_name="c", subcore_axis_name="s")
    run = pl.kernel(
        _sc_routing_body,
        out_type=jax.ShapeDtypeStruct((B * CP,), jnp.float32),
        mesh=mesh,
        scratch_types=[
            pltpu.VMEM((B_PER_W * 3,), jnp.int32),
            pltpu.VMEM((C_PER_W,), jnp.float32),
        ],
        compiler_params=pltpu.CompilerParams(needs_layout_passes=False),
    )
    return run(genres_t)


def _tc_matmul_body(x_ref, c_ref, w_ref, out_ref, xs_ref, wb_ref):
    x = x_ref[...].astype(jnp.bfloat16)
    c = c_ref[...].astype(jnp.bfloat16)
    for e in range(E):
        col = c[:, e : e + 1]
        xs_ref[:, e * IN : (e + 1) * IN] = x * col
    wb_ref[...] = w_ref[...].astype(jnp.bfloat16)
    acc = lax.dot_general(
        xs_ref[...],
        wb_ref[...],
        (((1,), (0,)), ((), ())),
        preferred_element_type=jnp.float32,
    )
    out_ref[...] = jnp.where(acc >= 0.0, acc, 0.01 * acc)


def _tc_combine_matmul(x, c_mat, w_flat):
    return pl.pallas_call(
        _tc_matmul_body,
        grid=(1,),
        in_specs=[
            pl.BlockSpec((B, IN), lambda i: (0, 0)),
            pl.BlockSpec((B, CP), lambda i: (0, 0)),
            pl.BlockSpec((E * IN, OUT), lambda i: (0, 0)),
        ],
        out_specs=pl.BlockSpec((B, OUT), lambda i: (0, 0)),
        out_shape=jax.ShapeDtypeStruct((B, OUT), jnp.float32),
        scratch_shapes=[
            pltpu.VMEM((B, E * IN), jnp.bfloat16),
            pltpu.VMEM((E * IN, OUT), jnp.bfloat16),
        ],
    )(x, c_mat, w_flat)


@jax.jit
def kernel(x, genres, W0):
    genres_t = genres.astype(jnp.int32).reshape(B * 3)
    w_flat = W0.reshape(E * IN, OUT)

    c_mat = _sc_routing(genres_t).reshape(B, CP)
    return _tc_combine_matmul(x, c_mat, w_flat)

# --- scband reference (transcript-rebuilt; emitter-appended) ---
"""Pipeline reference for scband-new-mo-e-62225486184915 (READ-ONLY COPY).

The authoritative reference and input builder live on the scoring server;
editing this copy changes nothing except your own understanding.
"""

import jax, jax.numpy as jnp
import numpy as np

B = 1024
IN = 128
OUT = 128
E = 64

def setup_inputs(seed: int = 0) -> dict:
    key = jax.random.key(seed)
    k1, k2, k3 = jax.random.split(key, 3)
    x = jax.random.normal(k1, (B, IN), dtype=jnp.float32)
    genres = jax.random.randint(k2, (B, 3), 0, E, dtype=jnp.int64)
    # learned per-expert weight matrices (layers=1, so single param of shape [E, in, out])
    W0 = jax.random.normal(k3, (E, IN, OUT), dtype=jnp.float32)
    return {"x": x, "genres": genres, "W0": W0}

def reference(x, genres, W0):
    # faithful translation of NewMoE.forward with layers=1
    batch_size = x.shape[0]
    in_dim, out_dim = W0.shape[1], W0.shape[2]
    # x.unsqueeze(1).expand(-1, 3, -1)
    x_expanded = jnp.broadcast_to(x[:, None, :], (batch_size, 3, in_dim))
    # torch.gather(params.expand(B,...), 1, genres_indices) == per-token gather of expert matrices
    expert_weights = jnp.take(W0, genres, axis=0)  # [B, 3, in, out]
    # mask = (genres != 0).unsqueeze(-1)
    mask = (genres != 0)[:, :, None].astype(jnp.float32)  # [B, 3, 1]
    weighted_outputs = jnp.einsum('bij,bijk->bik', x_expanded, expert_weights) * mask  # [B, 3, out]
    denom = jnp.clip(jnp.sum(mask, axis=1), 1e-09, None)  # [B, 1]
    new_x = jnp.sum(weighted_outputs, axis=1) / denom  # [B, out]
    # nn.LeakyReLU() default negative_slope = 0.01
    out = jnp.where(new_x >= 0, new_x, 0.01 * new_x)
    return out

if __name__ == "__main__":
    import jax
    _d = setup_inputs()
    print(jax.jit(kernel)(*tuple(_d.values())))

</pallas_src>

<mosaic_0001>
#map = affine_map<(d0, d1) -> (0)>
module attributes {stable_mosaic.version = 14 : i64} {
  func.func @_sc_routing_body(%arg0: i32, %arg1: i32, %arg2: memref<3072xi32, #tpu.memory_space<hbm>>, %arg3: memref<131072xf32, #tpu.memory_space<hbm>>, %arg4: memref<96xi32, #tpu.memory_space<vmem>>, %arg5: memref<4096xf32, #tpu.memory_space<vmem>>) attributes {dimension_semantics = [#tpu.dimension_semantics<core_parallel>, #tpu.dimension_semantics<subcore_parallel>], iteration_bounds = array<i64: 2, 16>, scalar_prefetch = 0 : i64, scratch_operands = 2 : i64, tpu.core_type = #tpu.core_type<sc_vector_subcore>, window_params = [{transform_indices = #map}, {transform_indices = #map}]} {
    %mul3A = arith.constant 2 : i32
    %mul3A_0 = arith.muli %arg1, %mul3A : i32
    %add3A = arith.addi %mul3A_0, %arg0 : i32
    %mul3A_1 = arith.constant 32 : i32
    %mul3A_2 = arith.muli %add3A, %mul3A_1 : i32
    %mul3A_3 = arith.constant 3 : i32
    %mul3A_4 = arith.muli %mul3A_2, %mul3A_3 : i32
    "tpu.region"() ({
      %run_scoped3A = tpu.sem_alloc : memref<!tpu.dma_semaphore, #tpu.memory_space<semaphore_mem>>
      %dma_start3A = tpu.memref_slice %arg2[%mul3A_4] : memref<3072xi32, #tpu.memory_space<hbm>> -> memref<96xi32, #tpu.memory_space<hbm>>
      %dma_start3A_184 = tpu.memref_slice %arg2[%mul3A_4] : memref<3072xi32, #tpu.memory_space<hbm>> -> memref<96xi32, #tpu.memory_space<hbm>>
      tpu.enqueue_dma source(%dma_start3A_184 : memref<96xi32, #tpu.memory_space<hbm>>) target(%arg4 : memref<96xi32, #tpu.memory_space<vmem>>) target_semaphore(%run_scoped3A : memref<!tpu.dma_semaphore, #tpu.memory_space<semaphore_mem>>)
      %dma_wait3A = tpu.memref_slice %arg2[%mul3A_4] : memref<3072xi32, #tpu.memory_space<hbm>> -> memref<96xi32, #tpu.memory_space<hbm>>
      %dma_wait3A_185 = tpu.memref_slice %arg2[%mul3A_4] : memref<3072xi32, #tpu.memory_space<hbm>> -> memref<96xi32, #tpu.memory_space<hbm>>
      tpu.wait_dma2 semaphore(%run_scoped3A : memref<!tpu.dma_semaphore, #tpu.memory_space<semaphore_mem>>) src(%dma_wait3A_185 : memref<96xi32, #tpu.memory_space<hbm>>) dst(%arg4 : memref<96xi32, #tpu.memory_space<vmem>>)
      tpu.yield
    }) : () -> ()
    %scan3A = arith.constant 0 : i32
    %scan3A_5 = arith.constant 0 : i32
    %scan3A_6 = arith.constant 32 : i32
    %scan3A_7 = arith.addi %scan3A_5, %scan3A_6 : i32
    %scan3A_8 = arith.constant 1 : i32
    scf.for %scan3A_184 = %scan3A_5 to %scan3A_7 step %scan3A_8  : i32 {
      %broadcast_in_dim3A_185 = arith.constant 0.000000e+00 : f32
      %broadcast_in_dim3A_186 = vector.broadcast %broadcast_in_dim3A_185 : f32 to vector<16xf32>
      %mul3A_187 = arith.constant 128 : i32
      %mul3A_188 = arith.muli %scan3A_184, %mul3A_187 : i32
      %add3A_189 = arith.constant 0 : i32
      %add3A_190 = arith.addi %mul3A_188, %add3A_189 : i32
      %swap3A = arith.index_cast %add3A_190 : i32 to index
      %swap3A_191 = tpu.vector_load %arg5[%swap3A] {strides = array<i32>} : memref<4096xf32, #tpu.memory_space<vmem>>, vector<16xf32>,
      tpu.vector_store %arg5[%swap3A], %broadcast_in_dim3A_186 {strides = array<i32>} : memref<4096xf32, #tpu.memory_space<vmem>>, vector<16xf32>,
      %broadcast_in_dim3A_192 = arith.constant 0.000000e+00 : f32
      %broadcast_in_dim3A_193 = vector.broadcast %broadcast_in_dim3A_192 : f32 to vector<16xf32>
      %mul3A_194 = arith.constant 128 : i32
      %mul3A_195 = arith.muli %scan3A_184, %mul3A_194 : i32
      %add3A_196 = arith.constant 16 : i32
      %add3A_197 = arith.addi %mul3A_195, %add3A_196 : i32
      %swap3A_198 = arith.index_cast %add3A_197 : i32 to index
      %swap3A_199 = tpu.vector_load %arg5[%swap3A_198] {strides = array<i32>} : memref<4096xf32, #tpu.memory_space<vmem>>, vector<16xf32>,
      tpu.vector_store %arg5[%swap3A_198], %broadcast_in_dim3A_193 {strides = array<i32>} : memref<4096xf32, #tpu.memory_space<vmem>>, vector<16xf32>,
      %broadcast_in_dim3A_200 = arith.constant 0.000000e+00 : f32
      %broadcast_in_dim3A_201 = vector.broadcast %broadcast_in_dim3A_200 : f32 to vector<16xf32>
      %mul3A_202 = arith.constant 128 : i32
      %mul3A_203 = arith.muli %scan3A_184, %mul3A_202 : i32
      %add3A_204 = arith.constant 32 : i32
      %add3A_205 = arith.addi %mul3A_203, %add3A_204 : i32
      %swap3A_206 = arith.index_cast %add3A_205 : i32 to index
      %swap3A_207 = tpu.vector_load %arg5[%swap3A_206] {strides = array<i32>} : memref<4096xf32, #tpu.memory_space<vmem>>, vector<16xf32>,
      tpu.vector_store %arg5[%swap3A_206], %broadcast_in_dim3A_201 {strides = array<i32>} : memref<4096xf32, #tpu.memory_space<vmem>>, vector<16xf32>,
      %broadcast_in_dim3A_208 = arith.constant 0.000000e+00 : f32
      %broadcast_in_dim3A_209 = vector.broadcast %broadcast_in_dim3A_208 : f32 to vector<16xf32>
      %mul3A_210 = arith.constant 128 : i32
      %mul3A_211 = arith.muli %scan3A_184, %mul3A_210 : i32
      %add3A_212 = arith.constant 48 : i32
      %add3A_213 = arith.addi %mul3A_211, %add3A_212 : i32
      %swap3A_214 = arith.index_cast %add3A_213 : i32 to index
      %swap3A_215 = tpu.vector_load %arg5[%swap3A_214] {strides = array<i32>} : memref<4096xf32, #tpu.memory_space<vmem>>, vector<16xf32>,
      tpu.vector_store %arg5[%swap3A_214], %broadcast_in_dim3A_209 {strides = array<i32>} : memref<4096xf32, #tpu.memory_space<vmem>>, vector<16xf32>,
      %broadcast_in_dim3A_216 = arith.constant 0.000000e+00 : f32
      %broadcast_in_dim3A_217 = vector.broadcast %broadcast_in_dim3A_216 : f32 to vector<16xf32>
      %mul3A_218 = arith.constant 128 : i32
      %mul3A_219 = arith.muli %scan3A_184, %mul3A_218 : i32
      %add3A_220 = arith.constant 64 : i32
      %add3A_221 = arith.addi %mul3A_219, %add3A_220 : i32
      %swap3A_222 = arith.index_cast %add3A_221 : i32 to index
      %swap3A_223 = tpu.vector_load %arg5[%swap3A_222] {strides = array<i32>} : memref<4096xf32, #tpu.memory_space<vmem>>, vector<16xf32>,
      tpu.vector_store %arg5[%swap3A_222], %broadcast_in_dim3A_217 {strides = array<i32>} : memref<4096xf32, #tpu.memory_space<vmem>>, vector<16xf32>,
      %broadcast_in_dim3A_224 = arith.constant 0.000000e+00 : f32
      %broadcast_in_dim3A_225 = vector.broadcast %broadcast_in_dim3A_224 : f32 to vector<16xf32>
      %mul3A_226 = arith.constant 128 : i32
      %mul3A_227 = arith.muli %scan3A_184, %mul3A_226 : i32
      %add3A_228 = arith.constant 80 : i32
      %add3A_229 = arith.addi %mul3A_227, %add3A_228 : i32
      %swap3A_230 = arith.index_cast %add3A_229 : i32 to index
      %swap3A_231 = tpu.vector_load %arg5[%swap3A_230] {strides = array<i32>} : memref<4096xf32, #tpu.memory_space<vmem>>, vector<16xf32>,
      tpu.vector_store %arg5[%swap3A_230], %broadcast_in_dim3A_225 {strides = array<i32>} : memref<4096xf32, #tpu.memory_space<vmem>>, vector<16xf32>,
      %broadcast_in_dim3A_232 = arith.constant 0.000000e+00 : f32
      %broadcast_in_dim3A_233 = vector.broadcast %broadcast_in_dim3A_232 : f32 to vector<16xf32>
      %mul3A_234 = arith.constant 128 : i32
      %mul3A_235 = arith.muli %scan3A_184, %mul3A_234 : i32
      %add3A_236 = arith.constant 96 : i32
      %add3A_237 = arith.addi %mul3A_235, %add3A_236 : i32
      %swap3A_238 = arith.index_cast %add3A_237 : i32 to index
      %swap3A_239 = tpu.vector_load %arg5[%swap3A_238] {strides = array<i32>} : memref<4096xf32, #tpu.memory_space<vmem>>, vector<16xf32>,
      tpu.vector_store %arg5[%swap3A_238], %broadcast_in_dim3A_233 {strides = array<i32>} : memref<4096xf32, #tpu.memory_space<vmem>>, vector<16xf32>,
      %broadcast_in_dim3A_240 = arith.constant 0.000000e+00 : f32
      %broadcast_in_dim3A_241 = vector.broadcast %broadcast_in_dim3A_240 : f32 to vector<16xf32>
      %mul3A_242 = arith.constant 128 : i32
      %mul3A_243 = arith.muli %scan3A_184, %mul3A_242 : i32
      %add3A_244 = arith.constant 112 : i32
      %add3A_245 = arith.addi %mul3A_243, %add3A_244 : i32
      %swap3A_246 = arith.index_cast %add3A_245 : i32 to index
      %swap3A_247 = tpu.vector_load %arg5[%swap3A_246] {strides = array<i32>} : memref<4096xf32, #tpu.memory_space<vmem>>, vector<16xf32>,
      tpu.vector_store %arg5[%swap3A_246], %broadcast_in_dim3A_241 {strides = array<i32>} : memref<4096xf32, #tpu.memory_space<vmem>>, vector<16xf32>,
    }
    %scan3A_9 = arith.constant 32 : i32
    %iota3A = tpu.iota {dimensions = array<i32: 0>} : vector<16xi32>
    %add3A_10 = arith.constant 0 : i32
    %add3A_11 = vector.broadcast %add3A_10 : i32 to vector<16xi32>
    %add3A_12 = arith.addi %iota3A, %add3A_11 : vector<16xi32>
    %mul3A_13 = arith.constant 3 : i32
    %mul3A_14 = vector.broadcast %mul3A_13 : i32 to vector<16xi32>
    %mul3A_15 = arith.muli %add3A_12, %mul3A_14 : vector<16xi32>
    %add3A_16 = arith.constant 0 : i32
    %add3A_17 = vector.broadcast %add3A_16 : i32 to vector<16xi32>
    %add3A_18 = arith.addi %mul3A_15, %add3A_17 : vector<16xi32>
    %gather3A = tpu.vector_load_idx %arg4[%add3A_18] : memref<96xi32, #tpu.memory_space<vmem>>[vector<16xi32>], vector<16xi32>,
    %mul3A_19 = arith.constant 3 : i32
    %mul3A_20 = vector.broadcast %mul3A_19 : i32 to vector<16xi32>
    %mul3A_21 = arith.muli %add3A_12, %mul3A_20 : vector<16xi32>
    %add3A_22 = arith.constant 1 : i32
    %add3A_23 = vector.broadcast %add3A_22 : i32 to vector<16xi32>
    %add3A_24 = arith.addi %mul3A_21, %add3A_23 : vector<16xi32>
    %gather3A_25 = tpu.vector_load_idx %arg4[%add3A_24] : memref<96xi32, #tpu.memory_space<vmem>>[vector<16xi32>], vector<16xi32>,
    %mul3A_26 = arith.constant 3 : i32
    %mul3A_27 = vector.broadcast %mul3A_26 : i32 to vector<16xi32>
    %mul3A_28 = arith.muli %add3A_12, %mul3A_27 : vector<16xi32>
    %add3A_29 = arith.constant 2 : i32
    %add3A_30 = vector.broadcast %add3A_29 : i32 to vector<16xi32>
    %add3A_31 = arith.addi %mul3A_28, %add3A_30 : vector<16xi32>
    %gather3A_32 = tpu.vector_load_idx %arg4[%add3A_31] : memref<96xi32, #tpu.memory_space<vmem>>[vector<16xi32>], vector<16xi32>,
    %ne3A = arith.constant 0 : i32
    %ne3A_33 = vector.broadcast %ne3A : i32 to vector<16xi32>
    %ne3A_34 = arith.cmpi ne, %gather3A, %ne3A_33 : vector<16xi32>
    %jit3A = arith.constant 1.000000e+00 : f32
    %jit3A_35 = arith.constant 0.000000e+00 : f32
    %broadcast_in_dim3A = vector.broadcast %jit3A : f32 to vector<16xf32>
    %broadcast_in_dim3A_36 = vector.broadcast %jit3A_35 : f32 to vector<16xf32>
    %select_n3A = arith.select %ne3A_34, %broadcast_in_dim3A, %broadcast_in_dim3A_36 : vector<16xi1>, vector<16xf32>
    %add3A_37 = arith.constant 0.000000e+00 : f32
    %add3A_38 = vector.broadcast %add3A_37 : f32 to vector<16xf32>
    %add3A_39 = arith.addf %add3A_38, %select_n3A : vector<16xf32>
    %ne3A_40 = arith.constant 0 : i32
    %ne3A_41 = vector.broadcast %ne3A_40 : i32 to vector<16xi32>
    %ne3A_42 = arith.cmpi ne, %gather3A_25, %ne3A_41 : vector<16xi32>
    %jit3A_43 = arith.constant 1.000000e+00 : f32
    %jit3A_44 = arith.constant 0.000000e+00 : f32
    %broadcast_in_dim3A_45 = vector.broadcast %jit3A_43 : f32 to vector<16xf32>
    %broadcast_in_dim3A_46 = vector.broadcast %jit3A_44 : f32 to vector<16xf32>
    %select_n3A_47 = arith.select %ne3A_42, %broadcast_in_dim3A_45, %broadcast_in_dim3A_46 : vector<16xi1>, vector<16xf32>
    %add3A_48 = arith.addf %add3A_39, %select_n3A_47 : vector<16xf32>
    %ne3A_49 = arith.constant 0 : i32
    %ne3A_50 = vector.broadcast %ne3A_49 : i32 to vector<16xi32>
    %ne3A_51 = arith.cmpi ne, %gather3A_32, %ne3A_50 : vector<16xi32>
    %jit3A_52 = arith.constant 1.000000e+00 : f32
    %jit3A_53 = arith.constant 0.000000e+00 : f32
    %broadcast_in_dim3A_54 = vector.broadcast %jit3A_52 : f32 to vector<16xf32>
    %broadcast_in_dim3A_55 = vector.broadcast %jit3A_53 : f32 to vector<16xf32>
    %select_n3A_56 = arith.select %ne3A_51, %broadcast_in_dim3A_54, %broadcast_in_dim3A_55 : vector<16xi1>, vector<16xf32>
    %add3A_57 = arith.addf %add3A_48, %select_n3A_56 : vector<16xf32>
    %max3A = arith.constant 1.000000e+00 : f32
    %max3A_58 = vector.broadcast %max3A : f32 to vector<16xf32>
    %max3A_59 = arith.maximumf %add3A_57, %max3A_58 : vector<16xf32>
    %div3A = arith.constant 1.000000e+00 : f32
    %div3A_60 = vector.broadcast %div3A : f32 to vector<16xf32>
    %div3A_61 = arith.divf %div3A_60, %max3A_59 : vector<16xf32>
    %ne3A_62 = arith.constant 0 : i32
    %ne3A_63 = vector.broadcast %ne3A_62 : i32 to vector<16xi32>
    %ne3A_64 = arith.cmpi ne, %gather3A, %ne3A_63 : vector<16xi32>
    %jit3A_65 = arith.constant 0.000000e+00 : f32
    %broadcast_in_dim3A_66 = vector.broadcast %jit3A_65 : f32 to vector<16xf32>
    %select_n3A_67 = arith.select %ne3A_64, %div3A_61, %broadcast_in_dim3A_66 : vector<16xi1>, vector<16xf32>
    %mul3A_68 = arith.constant 128 : i32
    %mul3A_69 = vector.broadcast %mul3A_68 : i32 to vector<16xi32>
    %mul3A_70 = arith.muli %add3A_12, %mul3A_69 : vector<16xi32>
    %add3A_71 = arith.addi %mul3A_70, %gather3A : vector<16xi32>
    tpu.vector_store_idx %arg5[%add3A_71], %select_n3A_67 {add = true} : memref<4096xf32, #tpu.memory_space<vmem>>[vector<16xi32>], vector<16xf32>,
    %ne3A_72 = arith.constant 0 : i32
    %ne3A_73 = vector.broadcast %ne3A_72 : i32 to vector<16xi32>
    %ne3A_74 = arith.cmpi ne, %gather3A_25, %ne3A_73 : vector<16xi32>
    %jit3A_75 = arith.constant 0.000000e+00 : f32
    %broadcast_in_dim3A_76 = vector.broadcast %jit3A_75 : f32 to vector<16xf32>
    %select_n3A_77 = arith.select %ne3A_74, %div3A_61, %broadcast_in_dim3A_76 : vector<16xi1>, vector<16xf32>
    %mul3A_78 = arith.constant 128 : i32
    %mul3A_79 = vector.broadcast %mul3A_78 : i32 to vector<16xi32>
    %mul3A_80 = arith.muli %add3A_12, %mul3A_79 : vector<16xi32>
    %add3A_81 = arith.addi %mul3A_80, %gather3A_25 : vector<16xi32>
    tpu.vector_store_idx %arg5[%add3A_81], %select_n3A_77 {add = true} : memref<4096xf32, #tpu.memory_space<vmem>>[vector<16xi32>], vector<16xf32>,
    %ne3A_82 = arith.constant 0 : i32
    %ne3A_83 = vector.broadcast %ne3A_82 : i32 to vector<16xi32>
    %ne3A_84 = arith.cmpi ne, %gather3A_32, %ne3A_83 : vector<16xi32>
    %jit3A_85 = arith.constant 0.000000e+00 : f32
    %broadcast_in_dim3A_86 = vector.broadcast %jit3A_85 : f32 to vector<16xf32>
    %select_n3A_87 = arith.select %ne3A_84, %div3A_61, %broadcast_in_dim3A_86 : vector<16xi1>, vector<16xf32>
    %mul3A_88 = arith.constant 128 : i32
    %mul3A_89 = vector.broadcast %mul3A_88 : i32 to vector<16xi32>
    %mul3A_90 = arith.muli %add3A_12, %mul3A_89 : vector<16xi32>
    %add3A_91 = arith.addi %mul3A_90, %gather3A_32 : vector<16xi32>
    tpu.vector_store_idx %arg5[%add3A_91], %select_n3A_87 {add = true} : memref<4096xf32, #tpu.memory_space<vmem>>[vector<16xi32>], vector<16xf32>,
    %iota3A_92 = tpu.iota {dimensions = array<i32: 0>} : vector<16xi32>
    %add3A_93 = arith.constant 16 : i32
    %add3A_94 = vector.broadcast %add3A_93 : i32 to vector<16xi32>
    %add3A_95 = arith.addi %iota3A_92, %add3A_94 : vector<16xi32>
    %mul3A_96 = arith.constant 3 : i32
    %mul3A_97 = vector.broadcast %mul3A_96 : i32 to vector<16xi32>
    %mul3A_98 = arith.muli %add3A_95, %mul3A_97 : vector<16xi32>
    %add3A_99 = arith.constant 0 : i32
    %add3A_100 = vector.broadcast %add3A_99 : i32 to vector<16xi32>
    %add3A_101 = arith.addi %mul3A_98, %add3A_100 : vector<16xi32>
    %gather3A_102 = tpu.vector_load_idx %arg4[%add3A_101] : memref<96xi32, #tpu.memory_space<vmem>>[vector<16xi32>], vector<16xi32>,
    %mul3A_103 = arith.constant 3 : i32
    %mul3A_104 = vector.broadcast %mul3A_103 : i32 to vector<16xi32>
    %mul3A_105 = arith.muli %add3A_95, %mul3A_104 : vector<16xi32>
    %add3A_106 = arith.constant 1 : i32
    %add3A_107 = vector.broadcast %add3A_106 : i32 to vector<16xi32>
    %add3A_108 = arith.addi %mul3A_105, %add3A_107 : vector<16xi32>
    %gather3A_109 = tpu.vector_load_idx %arg4[%add3A_108] : memref<96xi32, #tpu.memory_space<vmem>>[vector<16xi32>], vector<16xi32>,
    %mul3A_110 = arith.constant 3 : i32
    %mul3A_111 = vector.broadcast %mul3A_110 : i32 to vector<16xi32>
    %mul3A_112 = arith.muli %add3A_95, %mul3A_111 : vector<16xi32>
    %add3A_113 = arith.constant 2 : i32
    %add3A_114 = vector.broadcast %add3A_113 : i32 to vector<16xi32>
    %add3A_115 = arith.addi %mul3A_112, %add3A_114 : vector<16xi32>
    %gather3A_116 = tpu.vector_load_idx %arg4[%add3A_115] : memref<96xi32, #tpu.memory_space<vmem>>[vector<16xi32>], vector<16xi32>,
    %ne3A_117 = arith.constant 0 : i32
    %ne3A_118 = vector.broadcast %ne3A_117 : i32 to vector<16xi32>
    %ne3A_119 = arith.cmpi ne, %gather3A_102, %ne3A_118 : vector<16xi32>
    %jit3A_120 = arith.constant 1.000000e+00 : f32
    %jit3A_121 = arith.constant 0.000000e+00 : f32
    %broadcast_in_dim3A_122 = vector.broadcast %jit3A_120 : f32 to vector<16xf32>
    %broadcast_in_dim3A_123 = vector.broadcast %jit3A_121 : f32 to vector<16xf32>
    %select_n3A_124 = arith.select %ne3A_119, %broadcast_in_dim3A_122, %broadcast_in_dim3A_123 : vector<16xi1>, vector<16xf32>
    %add3A_125 = arith.constant 0.000000e+00 : f32
    %add3A_126 = vector.broadcast %add3A_125 : f32 to vector<16xf32>
    %add3A_127 = arith.addf %add3A_126, %select_n3A_124 : vector<16xf32>
    %ne3A_128 = arith.constant 0 : i32
    %ne3A_129 = vector.broadcast %ne3A_128 : i32 to vector<16xi32>
    %ne3A_130 = arith.cmpi ne, %gather3A_109, %ne3A_129 : vector<16xi32>
    %jit3A_131 = arith.constant 1.000000e+00 : f32
    %jit3A_132 = arith.constant 0.000000e+00 : f32
    %broadcast_in_dim3A_133 = vector.broadcast %jit3A_131 : f32 to vector<16xf32>
    %broadcast_in_dim3A_134 = vector.broadcast %jit3A_132 : f32 to vector<16xf32>
    %select_n3A_135 = arith.select %ne3A_130, %broadcast_in_dim3A_133, %broadcast_in_dim3A_134 : vector<16xi1>, vector<16xf32>
    %add3A_136 = arith.addf %add3A_127, %select_n3A_135 : vector<16xf32>
    %ne3A_137 = arith.constant 0 : i32
    %ne3A_138 = vector.broadcast %ne3A_137 : i32 to vector<16xi32>
    %ne3A_139 = arith.cmpi ne, %gather3A_116, %ne3A_138 : vector<16xi32>
    %jit3A_140 = arith.constant 1.000000e+00 : f32
    %jit3A_141 = arith.constant 0.000000e+00 : f32
    %broadcast_in_dim3A_142 = vector.broadcast %jit3A_140 : f32 to vector<16xf32>
    %broadcast_in_dim3A_143 = vector.broadcast %jit3A_141 : f32 to vector<16xf32>
    %select_n3A_144 = arith.select %ne3A_139, %broadcast_in_dim3A_142, %broadcast_in_dim3A_143 : vector<16xi1>, vector<16xf32>
    %add3A_145 = arith.addf %add3A_136, %select_n3A_144 : vector<16xf32>
    %max3A_146 = arith.constant 1.000000e+00 : f32
    %max3A_147 = vector.broadcast %max3A_146 : f32 to vector<16xf32>
    %max3A_148 = arith.maximumf %add3A_145, %max3A_147 : vector<16xf32>
    %div3A_149 = arith.constant 1.000000e+00 : f32
    %div3A_150 = vector.broadcast %div3A_149 : f32 to vector<16xf32>
    %div3A_151 = arith.divf %div3A_150, %max3A_148 : vector<16xf32>
    %ne3A_152 = arith.constant 0 : i32
    %ne3A_153 = vector.broadcast %ne3A_152 : i32 to vector<16xi32>
    %ne3A_154 = arith.cmpi ne, %gather3A_102, %ne3A_153 : vector<16xi32>
    %jit3A_155 = arith.constant 0.000000e+00 : f32
    %broadcast_in_dim3A_156 = vector.broadcast %jit3A_155 : f32 to vector<16xf32>
    %select_n3A_157 = arith.select %ne3A_154, %div3A_151, %broadcast_in_dim3A_156 : vector<16xi1>, vector<16xf32>
    %mul3A_158 = arith.constant 128 : i32
    %mul3A_159 = vector.broadcast %mul3A_158 : i32 to vector<16xi32>
    %mul3A_160 = arith.muli %add3A_95, %mul3A_159 : vector<16xi32>
    %add3A_161 = arith.addi %mul3A_160, %gather3A_102 : vector<16xi32>
    tpu.vector_store_idx %arg5[%add3A_161], %select_n3A_157 {add = true} : memref<4096xf32, #tpu.memory_space<vmem>>[vector<16xi32>], vector<16xf32>,
    %ne3A_162 = arith.constant 0 : i32
    %ne3A_163 = vector.broadcast %ne3A_162 : i32 to vector<16xi32>
    %ne3A_164 = arith.cmpi ne, %gather3A_109, %ne3A_163 : vector<16xi32>
    %jit3A_165 = arith.constant 0.000000e+00 : f32
    %broadcast_in_dim3A_166 = vector.broadcast %jit3A_165 : f32 to vector<16xf32>
    %select_n3A_167 = arith.select %ne3A_164, %div3A_151, %broadcast_in_dim3A_166 : vector<16xi1>, vector<16xf32>
    %mul3A_168 = arith.constant 128 : i32
    %mul3A_169 = vector.broadcast %mul3A_168 : i32 to vector<16xi32>
    %mul3A_170 = arith.muli %add3A_95, %mul3A_169 : vector<16xi32>
    %add3A_171 = arith.addi %mul3A_170, %gather3A_109 : vector<16xi32>
    tpu.vector_store_idx %arg5[%add3A_171], %select_n3A_167 {add = true} : memref<4096xf32, #tpu.memory_space<vmem>>[vector<16xi32>], vector<16xf32>,
    %ne3A_172 = arith.constant 0 : i32
    %ne3A_173 = vector.broadcast %ne3A_172 : i32 to vector<16xi32>
    %ne3A_174 = arith.cmpi ne, %gather3A_116, %ne3A_173 : vector<16xi32>
    %jit3A_175 = arith.constant 0.000000e+00 : f32
    %broadcast_in_dim3A_176 = vector.broadcast %jit3A_175 : f32 to vector<16xf32>
    %select_n3A_177 = arith.select %ne3A_174, %div3A_151, %broadcast_in_dim3A_176 : vector<16xi1>, vector<16xf32>
    %mul3A_178 = arith.constant 128 : i32
    %mul3A_179 = vector.broadcast %mul3A_178 : i32 to vector<16xi32>
    %mul3A_180 = arith.muli %add3A_95, %mul3A_179 : vector<16xi32>
    %add3A_181 = arith.addi %mul3A_180, %gather3A_116 : vector<16xi32>
    tpu.vector_store_idx %arg5[%add3A_181], %select_n3A_177 {add = true} : memref<4096xf32, #tpu.memory_space<vmem>>[vector<16xi32>], vector<16xf32>,
    %mul3A_182 = arith.constant 128 : i32
    %mul3A_183 = arith.muli %mul3A_2, %mul3A_182 : i32
    "tpu.region"() ({
      %run_scoped3A = tpu.sem_alloc : memref<!tpu.dma_semaphore, #tpu.memory_space<semaphore_mem>>
      %dma_start3A = tpu.memref_slice %arg3[%mul3A_183] : memref<131072xf32, #tpu.memory_space<hbm>> -> memref<4096xf32, #tpu.memory_space<hbm>>
      %dma_start3A_184 = tpu.memref_slice %arg3[%mul3A_183] : memref<131072xf32, #tpu.memory_space<hbm>> -> memref<4096xf32, #tpu.memory_space<hbm>>
      tpu.enqueue_dma source(%arg5 : memref<4096xf32, #tpu.memory_space<vmem>>) target(%dma_start3A_184 : memref<4096xf32, #tpu.memory_space<hbm>>) target_semaphore(%run_scoped3A : memref<!tpu.dma_semaphore, #tpu.memory_space<semaphore_mem>>)
      %dma_wait3A = tpu.memref_slice %arg3[%mul3A_183] : memref<131072xf32, #tpu.memory_space<hbm>> -> memref<4096xf32, #tpu.memory_space<hbm>>
      %dma_wait3A_185 = tpu.memref_slice %arg3[%mul3A_183] : memref<131072xf32, #tpu.memory_space<hbm>> -> memref<4096xf32, #tpu.memory_space<hbm>>
      tpu.wait_dma2 semaphore(%run_scoped3A : memref<!tpu.dma_semaphore, #tpu.memory_space<semaphore_mem>>) src(%arg5 : memref<4096xf32, #tpu.memory_space<vmem>>) dst(%dma_wait3A_185 : memref<4096xf32, #tpu.memory_space<hbm>>)
      tpu.yield
    }) : () -> ()
    return
  }
}

module attributes {stable_mosaic.version = 14 : i64} {
  func.func @_tc_matmul_body(%arg0: i32, %arg1: memref<1024x128xf32, #tpu.memory_space<vmem>>, %arg2: memref<1024x128xf32, #tpu.memory_space<vmem>>, %arg3: memref<8192x128xf32, #tpu.memory_space<vmem>>, %arg4: memref<1024x128xf32, #tpu.memory_space<vmem>>, %arg5: memref<1024x8192xbf16, #tpu.memory_space<vmem>>, %arg6: memref<8192x128xbf16, #tpu.memory_space<vmem>>) attributes {dimension_semantics = [#tpu.dimension_semantics<arbitrary>], iteration_bounds = array<i64: 1>, scalar_prefetch = 0 : i64, scratch_operands = 2 : i64, tpu.core_type = #tpu.core_type<tc>, window_params = [{pipeline_mode = #tpu.pipeline_mode<synchronous>, transform_indices = @transform_0, window_bounds = array<i64: 1024, 128>}, {pipeline_mode = #tpu.pipeline_mode<synchronous>, transform_indices = @transform_1, window_bounds = array<i64: 1024, 128>}, {pipeline_mode = #tpu.pipeline_mode<synchronous>, transform_indices = @transform_2, window_bounds = array<i64: 8192, 128>}, {pipeline_mode = #tpu.pipeline_mode<synchronous>, transform_indices = @transform_3, window_bounds = array<i64: 1024, 128>}]} {
    %get3A = arith.constant 0 : index
    %get3A_0 = arith.constant 0 : index
    %get3A_1 = vector.load %arg1[%get3A, %get3A_0] : memref<1024x128xf32, #tpu.memory_space<vmem>>, vector<1024x128xf32>
    %convert_element_type3A = arith.truncf %get3A_1 : vector<1024x128xf32> to vector<1024x128xbf16>
    %get3A_2 = arith.constant 0 : index
    %get3A_3 = arith.constant 0 : index
    %get3A_4 = vector.load %arg2[%get3A_2, %get3A_3] : memref<1024x128xf32, #tpu.memory_space<vmem>>, vector<1024x128xf32>
    %convert_element_type3A_5 = arith.truncf %get3A_4 : vector<1024x128xf32> to vector<1024x128xbf16>
    %slice3A = vector.extract_strided_slice %convert_element_type3A_5 {offsets = [0, 0], sizes = [1024, 1], strides = [1, 1]} : vector<1024x128xbf16> to vector<1024x1xbf16>
    %mul3A = vector.broadcast %slice3A : vector<1024x1xbf16> to vector<1024x128xbf16>
    %mul3A_6 = arith.mulf %convert_element_type3A, %mul3A : vector<1024x128xbf16>
    %swap3A = arith.constant 0 : index
    %swap3A_7 = arith.constant 0 : index
    %swap3A_8 = vector.load %arg5[%swap3A, %swap3A_7] : memref<1024x8192xbf16, #tpu.memory_space<vmem>>, vector<1024x128xbf16>
    tpu.vector_store %arg5[%swap3A, %swap3A_7], %mul3A_6 {strides = array<i32>} : memref<1024x8192xbf16, #tpu.memory_space<vmem>>, vector<1024x128xbf16>,
    %slice3A_9 = vector.extract_strided_slice %convert_element_type3A_5 {offsets = [0, 1], sizes = [1024, 1], strides = [1, 1]} : vector<1024x128xbf16> to vector<1024x1xbf16>
    %mul3A_10 = vector.broadcast %slice3A_9 : vector<1024x1xbf16> to vector<1024x128xbf16>
    %mul3A_11 = arith.mulf %convert_element_type3A, %mul3A_10 : vector<1024x128xbf16>
    %swap3A_12 = arith.constant 0 : index
    %swap3A_13 = arith.constant 128 : index
    %swap3A_14 = vector.load %arg5[%swap3A_12, %swap3A_13] : memref<1024x8192xbf16, #tpu.memory_space<vmem>>, vector<1024x128xbf16>
    tpu.vector_store %arg5[%swap3A_12, %swap3A_13], %mul3A_11 {strides = array<i32>} : memref<1024x8192xbf16, #tpu.memory_space<vmem>>, vector<1024x128xbf16>,
    %slice3A_15 = vector.extract_strided_slice %convert_element_type3A_5 {offsets = [0, 2], sizes = [1024, 1], strides = [1, 1]} : vector<1024x128xbf16> to vector<1024x1xbf16>
    %mul3A_16 = vector.broadcast %slice3A_15 : vector<1024x1xbf16> to vector<1024x128xbf16>
    %mul3A_17 = arith.mulf %convert_element_type3A, %mul3A_16 : vector<1024x128xbf16>
    %swap3A_18 = arith.constant 0 : index
    %swap3A_19 = arith.constant 256 : index
    %swap3A_20 = vector.load %arg5[%swap3A_18, %swap3A_19] : memref<1024x8192xbf16, #tpu.memory_space<vmem>>, vector<1024x128xbf16>
    tpu.vector_store %arg5[%swap3A_18, %swap3A_19], %mul3A_17 {strides = array<i32>} : memref<1024x8192xbf16, #tpu.memory_space<vmem>>, vector<1024x128xbf16>,
    %slice3A_21 = vector.extract_strided_slice %convert_element_type3A_5 {offsets = [0, 3], sizes = [1024, 1], strides = [1, 1]} : vector<1024x128xbf16> to vector<1024x1xbf16>
    %mul3A_22 = vector.broadcast %slice3A_21 : vector<1024x1xbf16> to vector<1024x128xbf16>
    %mul3A_23 = arith.mulf %convert_element_type3A, %mul3A_22 : vector<1024x128xbf16>
    %swap3A_24 = arith.constant 0 : index
    %swap3A_25 = arith.constant 384 : index
    %swap3A_26 = vector.load %arg5[%swap3A_24, %swap3A_25] : memref<1024x8192xbf16, #tpu.memory_space<vmem>>, vector<1024x128xbf16>
    tpu.vector_store %arg5[%swap3A_24, %swap3A_25], %mul3A_23 {strides = array<i32>} : memref<1024x8192xbf16, #tpu.memory_space<vmem>>, vector<1024x128xbf16>,
    %slice3A_27 = vector.extract_strided_slice %convert_element_type3A_5 {offsets = [0, 4], sizes = [1024, 1], strides = [1, 1]} : vector<1024x128xbf16> to vector<1024x1xbf16>
    %mul3A_28 = vector.broadcast %slice3A_27 : vector<1024x1xbf16> to vector<1024x128xbf16>
    %mul3A_29 = arith.mulf %convert_element_type3A, %mul3A_28 : vector<1024x128xbf16>
    %swap3A_30 = arith.constant 0 : index
    %swap3A_31 = arith.constant 512 : index
    %swap3A_32 = vector.load %arg5[%swap3A_30, %swap3A_31] : memref<1024x8192xbf16, #tpu.memory_space<vmem>>, vector<1024x128xbf16>
    tpu.vector_store %arg5[%swap3A_30, %swap3A_31], %mul3A_29 {strides = array<i32>} : memref<1024x8192xbf16, #tpu.memory_space<vmem>>, vector<1024x128xbf16>,
    %slice3A_33 = vector.extract_strided_slice %convert_element_type3A_5 {offsets = [0, 5], sizes = [1024, 1], strides = [1, 1]} : vector<1024x128xbf16> to vector<1024x1xbf16>
    %mul3A_34 = vector.broadcast %slice3A_33 : vector<1024x1xbf16> to vector<1024x128xbf16>
    %mul3A_35 = arith.mulf %convert_element_type3A, %mul3A_34 : vector<1024x128xbf16>
    %swap3A_36 = arith.constant 0 : index
    %swap3A_37 = arith.constant 640 : index
    %swap3A_38 = vector.load %arg5[%swap3A_36, %swap3A_37] : memref<1024x8192xbf16, #tpu.memory_space<vmem>>, vector<1024x128xbf16>
    tpu.vector_store %arg5[%swap3A_36, %swap3A_37], %mul3A_35 {strides = array<i32>} : memref<1024x8192xbf16, #tpu.memory_space<vmem>>, vector<1024x128xbf16>,
    %slice3A_39 = vector.extract_strided_slice %convert_element_type3A_5 {offsets = [0, 6], sizes = [1024, 1], strides = [1, 1]} : vector<1024x128xbf16> to vector<1024x1xbf16>
    %mul3A_40 = vector.broadcast %slice3A_39 : vector<1024x1xbf16> to vector<1024x128xbf16>
    %mul3A_41 = arith.mulf %convert_element_type3A, %mul3A_40 : vector<1024x128xbf16>
    %swap3A_42 = arith.constant 0 : index
    %swap3A_43 = arith.constant 768 : index
    %swap3A_44 = vector.load %arg5[%swap3A_42, %swap3A_43] : memref<1024x8192xbf16, #tpu.memory_space<vmem>>, vector<1024x128xbf16>
    tpu.vector_store %arg5[%swap3A_42, %swap3A_43], %mul3A_41 {strides = array<i32>} : memref<1024x8192xbf16, #tpu.memory_space<vmem>>, vector<1024x128xbf16>,
    %slice3A_45 = vector.extract_strided_slice %convert_element_type3A_5 {offsets = [0, 7], sizes = [1024, 1], strides = [1, 1]} : vector<1024x128xbf16> to vector<1024x1xbf16>
    %mul3A_46 = vector.broadcast %slice3A_45 : vector<1024x1xbf16> to vector<1024x128xbf16>
    %mul3A_47 = arith.mulf %convert_element_type3A, %mul3A_46 : vector<1024x128xbf16>
    %swap3A_48 = arith.constant 0 : index
    %swap3A_49 = arith.constant 896 : index
    %swap3A_50 = vector.load %arg5[%swap3A_48, %swap3A_49] : memref<1024x8192xbf16, #tpu.memory_space<vmem>>, vector<1024x128xbf16>
    tpu.vector_store %arg5[%swap3A_48, %swap3A_49], %mul3A_47 {strides = array<i32>} : memref<1024x8192xbf16, #tpu.memory_space<vmem>>, vector<1024x128xbf16>,
    %slice3A_51 = vector.extract_strided_slice %convert_element_type3A_5 {offsets = [0, 8], sizes = [1024, 1], strides = [1, 1]} : vector<1024x128xbf16> to vector<1024x1xbf16>
    %mul3A_52 = vector.broadcast %slice3A_51 : vector<1024x1xbf16> to vector<1024x128xbf16>
    %mul3A_53 = arith.mulf %convert_element_type3A, %mul3A_52 : vector<1024x128xbf16>
    %swap3A_54 = arith.constant 0 : index
    %swap3A_55 = arith.constant 1024 : index
    %swap3A_56 = vector.load %arg5[%swap3A_54, %swap3A_55] : memref<1024x8192xbf16, #tpu.memory_space<vmem>>, vector<1024x128xbf16>
    tpu.vector_store %arg5[%swap3A_54, %swap3A_55], %mul3A_53 {strides = array<i32>} : memref<1024x8192xbf16, #tpu.memory_space<vmem>>, vector<1024x128xbf16>,
    %slice3A_57 = vector.extract_strided_slice %convert_element_type3A_5 {offsets = [0, 9], sizes = [1024, 1], strides = [1, 1]} : vector<1024x128xbf16> to vector<1024x1xbf16>
    %mul3A_58 = vector.broadcast %slice3A_57 : vector<1024x1xbf16> to vector<1024x128xbf16>
    %mul3A_59 = arith.mulf %convert_element_type3A, %mul3A_58 : vector<1024x128xbf16>
    %swap3A_60 = arith.constant 0 : index
    %swap3A_61 = arith.constant 1152 : index
    %swap3A_62 = vector.load %arg5[%swap3A_60, %swap3A_61] : memref<1024x8192xbf16, #tpu.memory_space<vmem>>, vector<1024x128xbf16>
    tpu.vector_store %arg5[%swap3A_60, %swap3A_61], %mul3A_59 {strides = array<i32>} : memref<1024x8192xbf16, #tpu.memory_space<vmem>>, vector<1024x128xbf16>,
    %slice3A_63 = vector.extract_strided_slice %convert_element_type3A_5 {offsets = [0, 10], sizes = [1024, 1], strides = [1, 1]} : vector<1024x128xbf16> to vector<1024x1xbf16>
    %mul3A_64 = vector.broadcast %slice3A_63 : vector<1024x1xbf16> to vector<1024x128xbf16>
    %mul3A_65 = arith.mulf %convert_element_type3A, %mul3A_64 : vector<1024x128xbf16>
    %swap3A_66 = arith.constant 0 : index
    %swap3A_67 = arith.constant 1280 : index
    %swap3A_68 = vector.load %arg5[%swap3A_66, %swap3A_67] : memref<1024x8192xbf16, #tpu.memory_space<vmem>>, vector<1024x128xbf16>
    tpu.vector_store %arg5[%swap3A_66, %swap3A_67], %mul3A_65 {strides = array<i32>} : memref<1024x8192xbf16, #tpu.memory_space<vmem>>, vector<1024x128xbf16>,
    %slice3A_69 = vector.extract_strided_slice %convert_element_type3A_5 {offsets = [0, 11], sizes = [1024, 1], strides = [1, 1]} : vector<1024x128xbf16> to vector<1024x1xbf16>
    %mul3A_70 = vector.broadcast %slice3A_69 : vector<1024x1xbf16> to vector<1024x128xbf16>
    %mul3A_71 = arith.mulf %convert_element_type3A, %mul3A_70 : vector<1024x128xbf16>
    %swap3A_72 = arith.constant 0 : index
    %swap3A_73 = arith.constant 1408 : index
    %swap3A_74 = vector.load %arg5[%swap3A_72, %swap3A_73] : memref<1024x8192xbf16, #tpu.memory_space<vmem>>, vector<1024x128xbf16>
    tpu.vector_store %arg5[%swap3A_72, %swap3A_73], %mul3A_71 {strides = array<i32>} : memref<1024x8192xbf16, #tpu.memory_space<vmem>>, vector<1024x128xbf16>,
    %slice3A_75 = vector.extract_strided_slice %convert_element_type3A_5 {offsets = [0, 12], sizes = [1024, 1], strides = [1, 1]} : vector<1024x128xbf16> to vector<1024x1xbf16>
    %mul3A_76 = vector.broadcast %slice3A_75 : vector<1024x1xbf16> to vector<1024x128xbf16>
    %mul3A_77 = arith.mulf %convert_element_type3A, %mul3A_76 : vector<1024x128xbf16>
    %swap3A_78 = arith.constant 0 : index
    %swap3A_79 = arith.constant 1536 : index
    %swap3A_80 = vector.load %arg5[%swap3A_78, %swap3A_79] : memref<1024x8192xbf16, #tpu.memory_space<vmem>>, vector<1024x128xbf16>
    tpu.vector_store %arg5[%swap3A_78, %swap3A_79], %mul3A_77 {strides = array<i32>} : memref<1024x8192xbf16, #tpu.memory_space<vmem>>, vector<1024x128xbf16>,
    %slice3A_81 = vector.extract_strided_slice %convert_element_type3A_5 {offsets = [0, 13], sizes = [1024, 1], strides = [1, 1]} : vector<1024x128xbf16> to vector<1024x1xbf16>
    %mul3A_82 = vector.broadcast %slice3A_81 : vector<1024x1xbf16> to vector<1024x128xbf16>
    %mul3A_83 = arith.mulf %convert_element_type3A, %mul3A_82 : vector<1024x128xbf16>
    %swap3A_84 = arith.constant 0 : index
    %swap3A_85 = arith.constant 1664 : index
    %swap3A_86 = vector.load %arg5[%swap3A_84, %swap3A_85] : memref<1024x8192xbf16, #tpu.memory_space<vmem>>, vector<1024x128xbf16>
    tpu.vector_store %arg5[%swap3A_84, %swap3A_85], %mul3A_83 {strides = array<i32>} : memref<1024x8192xbf16, #tpu.memory_space<vmem>>, vector<1024x128xbf16>,
    %slice3A_87 = vector.extract_strided_slice %convert_element_type3A_5 {offsets = [0, 14], sizes = [1024, 1], strides = [1, 1]} : vector<1024x128xbf16> to vector<1024x1xbf16>
    %mul3A_88 = vector.broadcast %slice3A_87 : vector<1024x1xbf16> to vector<1024x128xbf16>
    %mul3A_89 = arith.mulf %convert_element_type3A, %mul3A_88 : vector<1024x128xbf16>
    %swap3A_90 = arith.constant 0 : index
    %swap3A_91 = arith.constant 1792 : index
    %swap3A_92 = vector.load %arg5[%swap3A_90, %swap3A_91] : memref<1024x8192xbf16, #tpu.memory_space<vmem>>, vector<1024x128xbf16>
    tpu.vector_store %arg5[%swap3A_90, %swap3A_91], %mul3A_89 {strides = array<i32>} : memref<1024x8192xbf16, #tpu.memory_space<vmem>>, vector<1024x128xbf16>,
    %slice3A_93 = vector.extract_strided_slice %convert_element_type3A_5 {offsets = [0, 15], sizes = [1024, 1], strides = [1, 1]} : vector<1024x128xbf16> to vector<1024x1xbf16>
    %mul3A_94 = vector.broadcast %slice3A_93 : vector<1024x1xbf16> to vector<1024x128xbf16>
    %mul3A_95 = arith.mulf %convert_element_type3A, %mul3A_94 : vector<1024x128xbf16>
    %swap3A_96 = arith.constant 0 : index
    %swap3A_97 = arith.constant 1920 : index
    %swap3A_98 = vector.load %arg5[%swap3A_96, %swap3A_97] : memref<1024x8192xbf16, #tpu.memory_space<vmem>>, vector<1024x128xbf16>
    tpu.vector_store %arg5[%swap3A_96, %swap3A_97], %mul3A_95 {strides = array<i32>} : memref<1024x8192xbf16, #tpu.memory_space<vmem>>, vector<1024x128xbf16>,
    %slice3A_99 = vector.extract_strided_slice %convert_element_type3A_5 {offsets = [0, 16], sizes = [1024, 1], strides = [1, 1]} : vector<1024x128xbf16> to vector<1024x1xbf16>
    %mul3A_100 = vector.broadcast %slice3A_99 : vector<1024x1xbf16> to vector<1024x128xbf16>
    %mul3A_101 = arith.mulf %convert_element_type3A, %mul3A_100 : vector<1024x128xbf16>
    %swap3A_102 = arith.constant 0 : index
    %swap3A_103 = arith.constant 2048 : index
    %swap3A_104 = vector.load %arg5[%swap3A_102, %swap3A_103] : memref<1024x8192xbf16, #tpu.memory_space<vmem>>, vector<1024x128xbf16>
    tpu.vector_store %arg5[%swap3A_102, %swap3A_103], %mul3A_101 {strides = array<i32>} : memref<1024x8192xbf16, #tpu.memory_space<vmem>>, vector<1024x128xbf16>,
    %slice3A_105 = vector.extract_strided_slice %convert_element_type3A_5 {offsets = [0, 17], sizes = [1024, 1], strides = [1, 1]} : vector<1024x128xbf16> to vector<1024x1xbf16>
    %mul3A_106 = vector.broadcast %slice3A_105 : vector<1024x1xbf16> to vector<1024x128xbf16>
    %mul3A_107 = arith.mulf %convert_element_type3A, %mul3A_106 : vector<1024x128xbf16>
    %swap3A_108 = arith.constant 0 : index
    %swap3A_109 = arith.constant 2176 : index
    %swap3A_110 = vector.load %arg5[%swap3A_108, %swap3A_109] : memref<1024x8192xbf16, #tpu.memory_space<vmem>>, vector<1024x128xbf16>
    tpu.vector_store %arg5[%swap3A_108, %swap3A_109], %mul3A_107 {strides = array<i32>} : memref<1024x8192xbf16, #tpu.memory_space<vmem>>, vector<1024x128xbf16>,
    %slice3A_111 = vector.extract_strided_slice %convert_element_type3A_5 {offsets = [0, 18], sizes = [1024, 1], strides = [1, 1]} : vector<1024x128xbf16> to vector<1024x1xbf16>
    %mul3A_112 = vector.broadcast %slice3A_111 : vector<1024x1xbf16> to vector<1024x128xbf16>
    %mul3A_113 = arith.mulf %convert_element_type3A, %mul3A_112 : vector<1024x128xbf16>
    %swap3A_114 = arith.constant 0 : index
    %swap3A_115 = arith.constant 2304 : index
    %swap3A_116 = vector.load %arg5[%swap3A_114, %swap3A_115] : memref<1024x8192xbf16, #tpu.memory_space<vmem>>, vector<1024x128xbf16>
    tpu.vector_store %arg5[%swap3A_114, %swap3A_115], %mul3A_113 {strides = array<i32>} : memref<1024x8192xbf16, #tpu.memory_space<vmem>>, vector<1024x128xbf16>,
    %slice3A_117 = vector.extract_strided_slice %convert_element_type3A_5 {offsets = [0, 19], sizes = [1024, 1], strides = [1, 1]} : vector<1024x128xbf16> to vector<1024x1xbf16>
    %mul3A_118 = vector.broadcast %slice3A_117 : vector<1024x1xbf16> to vector<1024x128xbf16>
    %mul3A_119 = arith.mulf %convert_element_type3A, %mul3A_118 : vector<1024x128xbf16>
    %swap3A_120 = arith.constant 0 : index
    %swap3A_121 = arith.constant 2432 : index
    %swap3A_122 = vector.load %arg5[%swap3A_120, %swap3A_121] : memref<1024x8192xbf16, #tpu.memory_space<vmem>>, vector<1024x128xbf16>
    tpu.vector_store %arg5[%swap3A_120, %swap3A_121], %mul3A_119 {strides = array<i32>} : memref<1024x8192xbf16, #tpu.memory_space<vmem>>, vector<1024x128xbf16>,
    %slice3A_123 = vector.extract_strided_slice %convert_element_type3A_5 {offsets = [0, 20], sizes = [1024, 1], strides = [1, 1]} : vector<1024x128xbf16> to vector<1024x1xbf16>
    %mul3A_124 = vector.broadcast %slice3A_123 : vector<1024x1xbf16> to vector<1024x128xbf16>
    %mul3A_125 = arith.mulf %convert_element_type3A, %mul3A_124 : vector<1024x128xbf16>
    %swap3A_126 = arith.constant 0 : index
    %swap3A_127 = arith.constant 2560 : index
    %swap3A_128 = vector.load %arg5[%swap3A_126, %swap3A_127] : memref<1024x8192xbf16, #tpu.memory_space<vmem>>, vector<1024x128xbf16>
    tpu.vector_store %arg5[%swap3A_126, %swap3A_127], %mul3A_125 {strides = array<i32>} : memref<1024x8192xbf16, #tpu.memory_space<vmem>>, vector<1024x128xbf16>,
    %slice3A_129 = vector.extract_strided_slice %convert_element_type3A_5 {offsets = [0, 21], sizes = [1024, 1], strides = [1, 1]} : vector<1024x128xbf16> to vector<1024x1xbf16>
    %mul3A_130 = vector.broadcast %slice3A_129 : vector<1024x1xbf16> to vector<1024x128xbf16>
    %mul3A_131 = arith.mulf %convert_element_type3A, %mul3A_130 : vector<1024x128xbf16>
    %swap3A_132 = arith.constant 0 : index
    %swap3A_133 = arith.constant 2688 : index
    %swap3A_134 = vector.load %arg5[%swap3A_132, %swap3A_133] : memref<1024x8192xbf16, #tpu.memory_space<vmem>>, vector<1024x128xbf16>
    tpu.vector_store %arg5[%swap3A_132, %swap3A_133], %mul3A_131 {strides = array<i32>} : memref<1024x8192xbf16, #tpu.memory_space<vmem>>, vector<1024x128xbf16>,
    %slice3A_135 = vector.extract_strided_slice %convert_element_type3A_5 {offsets = [0, 22], sizes = [1024, 1], strides = [1, 1]} : vector<1024x128xbf16> to vector<1024x1xbf16>
    %mul3A_136 = vector.broadcast %slice3A_135 : vector<1024x1xbf16> to vector<1024x128xbf16>
    %mul3A_137 = arith.mulf %convert_element_type3A, %mul3A_136 : vector<1024x128xbf16>
    %swap3A_138 = arith.constant 0 : index
    %swap3A_139 = arith.constant 2816 : index
    %swap3A_140 = vector.load %arg5[%swap3A_138, %swap3A_139] : memref<1024x8192xbf16, #tpu.memory_space<vmem>>, vector<1024x128xbf16>
    tpu.vector_store %arg5[%swap3A_138, %swap3A_139], %mul3A_137 {strides = array<i32>} : memref<1024x8192xbf16, #tpu.memory_space<vmem>>, vector<1024x128xbf16>,
    %slice3A_141 = vector.extract_strided_slice %convert_element_type3A_5 {offsets = [0, 23], sizes = [1024, 1], strides = [1, 1]} : vector<1024x128xbf16> to vector<1024x1xbf16>
    %mul3A_142 = vector.broadcast %slice3A_141 : vector<1024x1xbf16> to vector<1024x128xbf16>
    %mul3A_143 = arith.mulf %convert_element_type3A, %mul3A_142 : vector<1024x128xbf16>
    %swap3A_144 = arith.constant 0 : index
    %swap3A_145 = arith.constant 2944 : index
    %swap3A_146 = vector.load %arg5[%swap3A_144, %swap3A_145] : memref<1024x8192xbf16, #tpu.memory_space<vmem>>, vector<1024x128xbf16>
    tpu.vector_store %arg5[%swap3A_144, %swap3A_145], %mul3A_143 {strides = array<i32>} : memref<1024x8192xbf16, #tpu.memory_space<vmem>>, vector<1024x128xbf16>,
    %slice3A_147 = vector.extract_strided_slice %convert_element_type3A_5 {offsets = [0, 24], sizes = [1024, 1], strides = [1, 1]} : vector<1024x128xbf16> to vector<1024x1xbf16>
    %mul3A_148 = vector.broadcast %slice3A_147 : vector<1024x1xbf16> to vector<1024x128xbf16>
    %mul3A_149 = arith.mulf %convert_element_type3A, %mul3A_148 : vector<1024x128xbf16>
    %swap3A_150 = arith.constant 0 : index
    %swap3A_151 = arith.constant 3072 : index
    %swap3A_152 = vector.load %arg5[%swap3A_150, %swap3A_151] : memref<1024x8192xbf16, #tpu.memory_space<vmem>>, vector<1024x128xbf16>
    tpu.vector_store %arg5[%swap3A_150, %swap3A_151], %mul3A_149 {strides = array<i32>} : memref<1024x8192xbf16, #tpu.memory_space<vmem>>, vector<1024x128xbf16>,
    %slice3A_153 = vector.extract_strided_slice %convert_element_type3A_5 {offsets = [0, 25], sizes = [1024, 1], strides = [1, 1]} : vector<1024x128xbf16> to vector<1024x1xbf16>
    %mul3A_154 = vector.broadcast %slice3A_153 : vector<1024x1xbf16> to vector<1024x128xbf16>
    %mul3A_155 = arith.mulf %convert_element_type3A, %mul3A_154 : vector<1024x128xbf16>
    %swap3A_156 = arith.constant 0 : index
    %swap3A_157 = arith.constant 3200 : index
    %swap3A_158 = vector.load %arg5[%swap3A_156, %swap3A_157] : memref<1024x8192xbf16, #tpu.memory_space<vmem>>, vector<1024x128xbf16>
    tpu.vector_store %arg5[%swap3A_156, %swap3A_157], %mul3A_155 {strides = array<i32>} : memref<1024x8192xbf16, #tpu.memory_space<vmem>>, vector<1024x128xbf16>,
    %slice3A_159 = vector.extract_strided_slice %convert_element_type3A_5 {offsets = [0, 26], sizes = [1024, 1], strides = [1, 1]} : vector<1024x128xbf16> to vector<1024x1xbf16>
    %mul3A_160 = vector.broadcast %slice3A_159 : vector<1024x1xbf16> to vector<1024x128xbf16>
    %mul3A_161 = arith.mulf %convert_element_type3A, %mul3A_160 : vector<1024x128xbf16>
    %swap3A_162 = arith.constant 0 : index
    %swap3A_163 = arith.constant 3328 : index
    %swap3A_164 = vector.load %arg5[%swap3A_162, %swap3A_163] : memref<1024x8192xbf16, #tpu.memory_space<vmem>>, vector<1024x128xbf16>
    tpu.vector_store %arg5[%swap3A_162, %swap3A_163], %mul3A_161 {strides = array<i32>} : memref<1024x8192xbf16, #tpu.memory_space<vmem>>, vector<1024x128xbf16>,
    %slice3A_165 = vector.extract_strided_slice %convert_element_type3A_5 {offsets = [0, 27], sizes = [1024, 1], strides = [1, 1]} : vector<1024x128xbf16> to vector<1024x1xbf16>
    %mul3A_166 = vector.broadcast %slice3A_165 : vector<1024x1xbf16> to vector<1024x128xbf16>
    %mul3A_167 = arith.mulf %convert_element_type3A, %mul3A_166 : vector<1024x128xbf16>
    %swap3A_168 = arith.constant 0 : index
    %swap3A_169 = arith.constant 3456 : index
    %swap3A_170 = vector.load %arg5[%swap3A_168, %swap3A_169] : memref<1024x8192xbf16, #tpu.memory_space<vmem>>, vector<1024x128xbf16>
    tpu.vector_store %arg5[%swap3A_168, %swap3A_169], %mul3A_167 {strides = array<i32>} : memref<1024x8192xbf16, #tpu.memory_space<vmem>>, vector<1024x128xbf16>,
    %slice3A_171 = vector.extract_strided_slice %convert_element_type3A_5 {offsets = [0, 28], sizes = [1024, 1], strides = [1, 1]} : vector<1024x128xbf16> to vector<1024x1xbf16>
    %mul3A_172 = vector.broadcast %slice3A_171 : vector<1024x1xbf16> to vector<1024x128xbf16>
    %mul3A_173 = arith.mulf %convert_element_type3A, %mul3A_172 : vector<1024x128xbf16>
    %swap3A_174 = arith.constant 0 : index
    %swap3A_175 = arith.constant 3584 : index
    %swap3A_176 = vector.load %arg5[%swap3A_174, %swap3A_175] : memref<1024x8192xbf16, #tpu.memory_space<vmem>>, vector<1024x128xbf16>
    tpu.vector_store %arg5[%swap3A_174, %swap3A_175], %mul3A_173 {strides = array<i32>} : memref<1024x8192xbf16, #tpu.memory_space<vmem>>, vector<1024x128xbf16>,
    %slice3A_177 = vector.extract_strided_slice %convert_element_type3A_5 {offsets = [0, 29], sizes = [1024, 1], strides = [1, 1]} : vector<1024x128xbf16> to vector<1024x1xbf16>
    %mul3A_178 = vector.broadcast %slice3A_177 : vector<1024x1xbf16> to vector<1024x128xbf16>
    %mul3A_179 = arith.mulf %convert_element_type3A, %mul3A_178 : vector<1024x128xbf16>
    %swap3A_180 = arith.constant 0 : index
    %swap3A_181 = arith.constant 3712 : index
    %swap3A_182 = vector.load %arg5[%swap3A_180, %swap3A_181] : memref<1024x8192xbf16, #tpu.memory_space<vmem>>, vector<1024x128xbf16>
    tpu.vector_store %arg5[%swap3A_180, %swap3A_181], %mul3A_179 {strides = array<i32>} : memref<1024x8192xbf16, #tpu.memory_space<vmem>>, vector<1024x128xbf16>,
    %slice3A_183 = vector.extract_strided_slice %convert_element_type3A_5 {offsets = [0, 30], sizes = [1024, 1], strides = [1, 1]} : vector<1024x128xbf16> to vector<1024x1xbf16>
    %mul3A_184 = vector.broadcast %slice3A_183 : vector<1024x1xbf16> to vector<1024x128xbf16>
    %mul3A_185 = arith.mulf %convert_element_type3A, %mul3A_184 : vector<1024x128xbf16>
    %swap3A_186 = arith.constant 0 : index
    %swap3A_187 = arith.constant 3840 : index
    %swap3A_188 = vector.load %arg5[%swap3A_186, %swap3A_187] : memref<1024x8192xbf16, #tpu.memory_space<vmem>>, vector<1024x128xbf16>
    tpu.vector_store %arg5[%swap3A_186, %swap3A_187], %mul3A_185 {strides = array<i32>} : memref<1024x8192xbf16, #tpu.memory_space<vmem>>, vector<1024x128xbf16>,
    %slice3A_189 = vector.extract_strided_slice %convert_element_type3A_5 {offsets = [0, 31], sizes = [1024, 1], strides = [1, 1]} : vector<1024x128xbf16> to vector<1024x1xbf16>
    %mul3A_190 = vector.broadcast %slice3A_189 : vector<1024x1xbf16> to vector<1024x128xbf16>
    %mul3A_191 = arith.mulf %convert_element_type3A, %mul3A_190 : vector<1024x128xbf16>
    %swap3A_192 = arith.constant 0 : index
    %swap3A_193 = arith.constant 3968 : index
    %swap3A_194 = vector.load %arg5[%swap3A_192, %swap3A_193] : memref<1024x8192xbf16, #tpu.memory_space<vmem>>, vector<1024x128xbf16>
    tpu.vector_store %arg5[%swap3A_192, %swap3A_193], %mul3A_191 {strides = array<i32>} : memref<1024x8192xbf16, #tpu.memory_space<vmem>>, vector<1024x128xbf16>,
    %slice3A_195 = vector.extract_strided_slice %convert_element_type3A_5 {offsets = [0, 32], sizes = [1024, 1], strides = [1, 1]} : vector<1024x128xbf16> to vector<1024x1xbf16>
    %mul3A_196 = vector.broadcast %slice3A_195 : vector<1024x1xbf16> to vector<1024x128xbf16>
    %mul3A_197 = arith.mulf %convert_element_type3A, %mul3A_196 : vector<1024x128xbf16>
    %swap3A_198 = arith.constant 0 : index
    %swap3A_199 = arith.constant 4096 : index
    %swap3A_200 = vector.load %arg5[%swap3A_198, %swap3A_199] : memref<1024x8192xbf16, #tpu.memory_space<vmem>>, vector<1024x128xbf16>
    tpu.vector_store %arg5[%swap3A_198, %swap3A_199], %mul3A_197 {strides = array<i32>} : memref<1024x8192xbf16, #tpu.memory_space<vmem>>, vector<1024x128xbf16>,
    %slice3A_201 = vector.extract_strided_slice %convert_element_type3A_5 {offsets = [0, 33], sizes = [1024, 1], strides = [1, 1]} : vector<1024x128xbf16> to vector<1024x1xbf16>
    %mul3A_202 = vector.broadcast %slice3A_201 : vector<1024x1xbf16> to vector<1024x128xbf16>
    %mul3A_203 = arith.mulf %convert_element_type3A, %mul3A_202 : vector<1024x128xbf16>
    %swap3A_204 = arith.constant 0 : index
    %swap3A_205 = arith.constant 4224 : index
    %swap3A_206 = vector.load %arg5[%swap3A_204, %swap3A_205] : memref<1024x8192xbf16, #tpu.memory_space<vmem>>, vector<1024x128xbf16>
    tpu.vector_store %arg5[%swap3A_204, %swap3A_205], %mul3A_203 {strides = array<i32>} : memref<1024x8192xbf16, #tpu.memory_space<vmem>>, vector<1024x128xbf16>,
    %slice3A_207 = vector.extract_strided_slice %convert_element_type3A_5 {offsets = [0, 34], sizes = [1024, 1], strides = [1, 1]} : vector<1024x128xbf16> to vector<1024x1xbf16>
    %mul3A_208 = vector.broadcast %slice3A_207 : vector<1024x1xbf16> to vector<1024x128xbf16>
    %mul3A_209 = arith.mulf %convert_element_type3A, %mul3A_208 : vector<1024x128xbf16>
    %swap3A_210 = arith.constant 0 : index
    %swap3A_211 = arith.constant 4352 : index
    %swap3A_212 = vector.load %arg5[%swap3A_210, %swap3A_211] : memref<1024x8192xbf16, #tpu.memory_space<vmem>>, vector<1024x128xbf16>
    tpu.vector_store %arg5[%swap3A_210, %swap3A_211], %mul3A_209 {strides = array<i32>} : memref<1024x8192xbf16, #tpu.memory_space<vmem>>, vector<1024x128xbf16>,
    %slice3A_213 = vector.extract_strided_slice %convert_element_type3A_5 {offsets = [0, 35], sizes = [1024, 1], strides = [1, 1]} : vector<1024x128xbf16> to vector<1024x1xbf16>
    %mul3A_214 = vector.broadcast %slice3A_213 : vector<1024x1xbf16> to vector<1024x128xbf16>
    %mul3A_215 = arith.mulf %convert_element_type3A, %mul3A_214 : vector<1024x128xbf16>
    %swap3A_216 = arith.constant 0 : index
    %swap3A_217 = arith.constant 4480 : index
    %swap3A_218 = vector.load %arg5[%swap3A_216, %swap3A_217] : memref<1024x8192xbf16, #tpu.memory_space<vmem>>, vector<1024x128xbf16>
    tpu.vector_store %arg5[%swap3A_216, %swap3A_217], %mul3A_215 {strides = array<i32>} : memref<1024x8192xbf16, #tpu.memory_space<vmem>>, vector<1024x128xbf16>,
    %slice3A_219 = vector.extract_strided_slice %convert_element_type3A_5 {offsets = [0, 36], sizes = [1024, 1], strides = [1, 1]} : vector<1024x128xbf16> to vector<1024x1xbf16>
    %mul3A_220 = vector.broadcast %slice3A_219 : vector<1024x1xbf16> to vector<1024x128xbf16>
    %mul3A_221 = arith.mulf %convert_element_type3A, %mul3A_220 : vector<1024x128xbf16>
    %swap3A_222 = arith.constant 0 : index
    %swap3A_223 = arith.constant 4608 : index
    %swap3A_224 = vector.load %arg5[%swap3A_222, %swap3A_223] : memref<1024x8192xbf16, #tpu.memory_space<vmem>>, vector<1024x128xbf16>
    tpu.vector_store %arg5[%swap3A_222, %swap3A_223], %mul3A_221 {strides = array<i32>} : memref<1024x8192xbf16, #tpu.memory_space<vmem>>, vector<1024x128xbf16>,
    %slice3A_225 = vector.extract_strided_slice %convert_element_type3A_5 {offsets = [0, 37], sizes = [1024, 1], strides = [1, 1]} : vector<1024x128xbf16> to vector<1024x1xbf16>
    %mul3A_226 = vector.broadcast %slice3A_225 : vector<1024x1xbf16> to vector<1024x128xbf16>
    %mul3A_227 = arith.mulf %convert_element_type3A, %mul3A_226 : vector<1024x128xbf16>
    %swap3A_228 = arith.constant 0 : index
    %swap3A_229 = arith.constant 4736 : index
    %swap3A_230 = vector.load %arg5[%swap3A_228, %swap3A_229] : memref<1024x8192xbf16, #tpu.memory_space<vmem>>, vector<1024x128xbf16>
    tpu.vector_store %arg5[%swap3A_228, %swap3A_229], %mul3A_227 {strides = array<i32>} : memref<1024x8192xbf16, #tpu.memory_space<vmem>>, vector<1024x128xbf16>,
    %slice3A_231 = vector.extract_strided_slice %convert_element_type3A_5 {offsets = [0, 38], sizes = [1024, 1], strides = [1, 1]} : vector<1024x128xbf16> to vector<1024x1xbf16>
    %mul3A_232 = vector.broadcast %slice3A_231 : vector<1024x1xbf16> to vector<1024x128xbf16>
    %mul3A_233 = arith.mulf %convert_element_type3A, %mul3A_232 : vector<1024x128xbf16>
    %swap3A_234 = arith.constant 0 : index
    %swap3A_235 = arith.constant 4864 : index
    %swap3A_236 = vector.load %arg5[%swap3A_234, %swap3A_235] : memref<1024x8192xbf16, #tpu.memory_space<vmem>>, vector<1024x128xbf16>
    tpu.vector_store %arg5[%swap3A_234, %swap3A_235], %mul3A_233 {strides = array<i32>} : memref<1024x8192xbf16, #tpu.memory_space<vmem>>, vector<1024x128xbf16>,
    %slice3A_237 = vector.extract_strided_slice %convert_element_type3A_5 {offsets = [0, 39], sizes = [1024, 1], strides = [1, 1]} : vector<1024x128xbf16> to vector<1024x1xbf16>
    %mul3A_238 = vector.broadcast %slice3A_237 : vector<1024x1xbf16> to vector<1024x128xbf16>
    %mul3A_239 = arith.mulf %convert_element_type3A, %mul3A_238 : vector<1024x128xbf16>
    %swap3A_240 = arith.constant 0 : index
    %swap3A_241 = arith.constant 4992 : index
    %swap3A_242 = vector.load %arg5[%swap3A_240, %swap3A_241] : memref<1024x8192xbf16, #tpu.memory_space<vmem>>, vector<1024x128xbf16>
    tpu.vector_store %arg5[%swap3A_240, %swap3A_241], %mul3A_239 {strides = array<i32>} : memref<1024x8192xbf16, #tpu.memory_space<vmem>>, vector<1024x128xbf16>,
    %slice3A_243 = vector.extract_strided_slice %convert_element_type3A_5 {offsets = [0, 40], sizes = [1024, 1], strides = [1, 1]} : vector<1024x128xbf16> to vector<1024x1xbf16>
    %mul3A_244 = vector.broadcast %slice3A_243 : vector<1024x1xbf16> to vector<1024x128xbf16>
    %mul3A_245 = arith.mulf %convert_element_type3A, %mul3A_244 : vector<1024x128xbf16>
    %swap3A_246 = arith.constant 0 : index
    %swap3A_247 = arith.constant 5120 : index
    %swap3A_248 = vector.load %arg5[%swap3A_246, %swap3A_247] : memref<1024x8192xbf16, #tpu.memory_space<vmem>>, vector<1024x128xbf16>
    tpu.vector_store %arg5[%swap3A_246, %swap3A_247], %mul3A_245 {strides = array<i32>} : memref<1024x8192xbf16, #tpu.memory_space<vmem>>, vector<1024x128xbf16>,
    %slice3A_249 = vector.extract_strided_slice %convert_element_type3A_5 {offsets = [0, 41], sizes = [1024, 1], strides = [1, 1]} : vector<1024x128xbf16> to vector<1024x1xbf16>
    %mul3A_250 = vector.broadcast %slice3A_249 : vector<1024x1xbf16> to vector<1024x128xbf16>
    %mul3A_251 = arith.mulf %convert_element_type3A, %mul3A_250 : vector<1024x128xbf16>
    %swap3A_252 = arith.constant 0 : index
    %swap3A_253 = arith.constant 5248 : index
    %swap3A_254 = vector.load %arg5[%swap3A_252, %swap3A_253] : memref<1024x8192xbf16, #tpu.memory_space<vmem>>, vector<1024x128xbf16>
    tpu.vector_store %arg5[%swap3A_252, %swap3A_253], %mul3A_251 {strides = array<i32>} : memref<1024x8192xbf16, #tpu.memory_space<vmem>>, vector<1024x128xbf16>,
    %slice3A_255 = vector.extract_strided_slice %convert_element_type3A_5 {offsets = [0, 42], sizes = [1024, 1], strides = [1, 1]} : vector<1024x128xbf16> to vector<1024x1xbf16>
    %mul3A_256 = vector.broadcast %slice3A_255 : vector<1024x1xbf16> to vector<1024x128xbf16>
    %mul3A_257 = arith.mulf %convert_element_type3A, %mul3A_256 : vector<1024x128xbf16>
    %swap3A_258 = arith.constant 0 : index
    %swap3A_259 = arith.constant 5376 : index
    %swap3A_260 = vector.load %arg5[%swap3A_258, %swap3A_259] : memref<1024x8192xbf16, #tpu.memory_space<vmem>>, vector<1024x128xbf16>
    tpu.vector_store %arg5[%swap3A_258, %swap3A_259], %mul3A_257 {strides = array<i32>} : memref<1024x8192xbf16, #tpu.memory_space<vmem>>, vector<1024x128xbf16>,
    %slice3A_261 = vector.extract_strided_slice %convert_element_type3A_5 {offsets = [0, 43], sizes = [1024, 1], strides = [1, 1]} : vector<1024x128xbf16> to vector<1024x1xbf16>
    %mul3A_262 = vector.broadcast %slice3A_261 : vector<1024x1xbf16> to vector<1024x128xbf16>
    %mul3A_263 = arith.mulf %convert_element_type3A, %mul3A_262 : vector<1024x128xbf16>
    %swap3A_264 = arith.constant 0 : index
    %swap3A_265 = arith.constant 5504 : index
    %swap3A_266 = vector.load %arg5[%swap3A_264, %swap3A_265] : memref<1024x8192xbf16, #tpu.memory_space<vmem>>, vector<1024x128xbf16>
    tpu.vector_store %arg5[%swap3A_264, %swap3A_265], %mul3A_263 {strides = array<i32>} : memref<1024x8192xbf16, #tpu.memory_space<vmem>>, vector<1024x128xbf16>,
    %slice3A_267 = vector.extract_strided_slice %convert_element_type3A_5 {offsets = [0, 44], sizes = [1024, 1], strides = [1, 1]} : vector<1024x128xbf16> to vector<1024x1xbf16>
    %mul3A_268 = vector.broadcast %slice3A_267 : vector<1024x1xbf16> to vector<1024x128xbf16>
    %mul3A_269 = arith.mulf %convert_element_type3A, %mul3A_268 : vector<1024x128xbf16>
    %swap3A_270 = arith.constant 0 : index
    %swap3A_271 = arith.constant 5632 : index
    %swap3A_272 = vector.load %arg5[%swap3A_270, %swap3A_271] : memref<1024x8192xbf16, #tpu.memory_space<vmem>>, vector<1024x128xbf16>
    tpu.vector_store %arg5[%swap3A_270, %swap3A_271], %mul3A_269 {strides = array<i32>} : memref<1024x8192xbf16, #tpu.memory_space<vmem>>, vector<1024x128xbf16>,
    %slice3A_273 = vector.extract_strided_slice %convert_element_type3A_5 {offsets = [0, 45], sizes = [1024, 1], strides = [1, 1]} : vector<1024x128xbf16> to vector<1024x1xbf16>
    %mul3A_274 = vector.broadcast %slice3A_273 : vector<1024x1xbf16> to vector<1024x128xbf16>
    %mul3A_275 = arith.mulf %convert_element_type3A, %mul3A_274 : vector<1024x128xbf16>
    %swap3A_276 = arith.constant 0 : index
    %swap3A_277 = arith.constant 5760 : index
    %swap3A_278 = vector.load %arg5[%swap3A_276, %swap3A_277] : memref<1024x8192xbf16, #tpu.memory_space<vmem>>, vector<1024x128xbf16>
    tpu.vector_store %arg5[%swap3A_276, %swap3A_277], %mul3A_275 {strides = array<i32>} : memref<1024x8192xbf16, #tpu.memory_space<vmem>>, vector<1024x128xbf16>,
    %slice3A_279 = vector.extract_strided_slice %convert_element_type3A_5 {offsets = [0, 46], sizes = [1024, 1], strides = [1, 1]} : vector<1024x128xbf16> to vector<1024x1xbf16>
    %mul3A_280 = vector.broadcast %slice3A_279 : vector<1024x1xbf16> to vector<1024x128xbf16>
    %mul3A_281 = arith.mulf %convert_element_type3A, %mul3A_280 : vector<1024x128xbf16>
    %swap3A_282 = arith.constant 0 : index
    %swap3A_283 = arith.constant 5888 : index
    %swap3A_284 = vector.load %arg5[%swap3A_282, %swap3A_283] : memref<1024x8192xbf16, #tpu.memory_space<vmem>>, vector<1024x128xbf16>
    tpu.vector_store %arg5[%swap3A_282, %swap3A_283], %mul3A_281 {strides = array<i32>} : memref<1024x8192xbf16, #tpu.memory_space<vmem>>, vector<1024x128xbf16>,
    %slice3A_285 = vector.extract_strided_slice %convert_element_type3A_5 {offsets = [0, 47], sizes = [1024, 1], strides = [1, 1]} : vector<1024x128xbf16> to vector<1024x1xbf16>
    %mul3A_286 = vector.broadcast %slice3A_285 : vector<1024x1xbf16> to vector<1024x128xbf16>
    %mul3A_287 = arith.mulf %convert_element_type3A, %mul3A_286 : vector<1024x128xbf16>
    %swap3A_288 = arith.constant 0 : index
    %swap3A_289 = arith.constant 6016 : index
    %swap3A_290 = vector.load %arg5[%swap3A_288, %swap3A_289] : memref<1024x8192xbf16, #tpu.memory_space<vmem>>, vector<1024x128xbf16>
    tpu.vector_store %arg5[%swap3A_288, %swap3A_289], %mul3A_287 {strides = array<i32>} : memref<1024x8192xbf16, #tpu.memory_space<vmem>>, vector<1024x128xbf16>,
    %slice3A_291 = vector.extract_strided_slice %convert_element_type3A_5 {offsets = [0, 48], sizes = [1024, 1], strides = [1, 1]} : vector<1024x128xbf16> to vector<1024x1xbf16>
    %mul3A_292 = vector.broadcast %slice3A_291 : vector<1024x1xbf16> to vector<1024x128xbf16>
    %mul3A_293 = arith.mulf %convert_element_type3A, %mul3A_292 : vector<1024x128xbf16>
    %swap3A_294 = arith.constant 0 : index
    %swap3A_295 = arith.constant 6144 : index
    %swap3A_296 = vector.load %arg5[%swap3A_294, %swap3A_295] : memref<1024x8192xbf16, #tpu.memory_space<vmem>>, vector<1024x128xbf16>
    tpu.vector_store %arg5[%swap3A_294, %swap3A_295], %mul3A_293 {strides = array<i32>} : memref<1024x8192xbf16, #tpu.memory_space<vmem>>, vector<1024x128xbf16>,
    %slice3A_297 = vector.extract_strided_slice %convert_element_type3A_5 {offsets = [0, 49], sizes = [1024, 1], strides = [1, 1]} : vector<1024x128xbf16> to vector<1024x1xbf16>
    %mul3A_298 = vector.broadcast %slice3A_297 : vector<1024x1xbf16> to vector<1024x128xbf16>
    %mul3A_299 = arith.mulf %convert_element_type3A, %mul3A_298 : vector<1024x128xbf16>
    %swap3A_300 = arith.constant 0 : index
    %swap3A_301 = arith.constant 6272 : index
    %swap3A_302 = vector.load %arg5[%swap3A_300, %swap3A_301] : memref<1024x8192xbf16, #tpu.memory_space<vmem>>, vector<1024x128xbf16>
    tpu.vector_store %arg5[%swap3A_300, %swap3A_301], %mul3A_299 {strides = array<i32>} : memref<1024x8192xbf16, #tpu.memory_space<vmem>>, vector<1024x128xbf16>,
    %slice3A_303 = vector.extract_strided_slice %convert_element_type3A_5 {offsets = [0, 50], sizes = [1024, 1], strides = [1, 1]} : vector<1024x128xbf16> to vector<1024x1xbf16>
    %mul3A_304 = vector.broadcast %slice3A_303 : vector<1024x1xbf16> to vector<1024x128xbf16>
    %mul3A_305 = arith.mulf %convert_element_type3A, %mul3A_304 : vector<1024x128xbf16>
    %swap3A_306 = arith.constant 0 : index
    %swap3A_307 = arith.constant 6400 : index
    %swap3A_308 = vector.load %arg5[%swap3A_306, %swap3A_307] : memref<1024x8192xbf16, #tpu.memory_space<vmem>>, vector<1024x128xbf16>
    tpu.vector_store %arg5[%swap3A_306, %swap3A_307], %mul3A_305 {strides = array<i32>} : memref<1024x8192xbf16, #tpu.memory_space<vmem>>, vector<1024x128xbf16>,
    %slice3A_309 = vector.extract_strided_slice %convert_element_type3A_5 {offsets = [0, 51], sizes = [1024, 1], strides = [1, 1]} : vector<1024x128xbf16> to vector<1024x1xbf16>
    %mul3A_310 = vector.broadcast %slice3A_309 : vector<1024x1xbf16> to vector<1024x128xbf16>
    %mul3A_311 = arith.mulf %convert_element_type3A, %mul3A_310 : vector<1024x128xbf16>
    %swap3A_312 = arith.constant 0 : index
    %swap3A_313 = arith.constant 6528 : index
    %swap3A_314 = vector.load %arg5[%swap3A_312, %swap3A_313] : memref<1024x8192xbf16, #tpu.memory_space<vmem>>, vector<1024x128xbf16>
    tpu.vector_store %arg5[%swap3A_312, %swap3A_313], %mul3A_311 {strides = array<i32>} : memref<1024x8192xbf16, #tpu.memory_space<vmem>>, vector<1024x128xbf16>,
    %slice3A_315 = vector.extract_strided_slice %convert_element_type3A_5 {offsets = [0, 52], sizes = [1024, 1], strides = [1, 1]} : vector<1024x128xbf16> to vector<1024x1xbf16>
    %mul3A_316 = vector.broadcast %slice3A_315 : vector<1024x1xbf16> to vector<1024x128xbf16>
    %mul3A_317 = arith.mulf %convert_element_type3A, %mul3A_316 : vector<1024x128xbf16>
    %swap3A_318 = arith.constant 0 : index
    %swap3A_319 = arith.constant 6656 : index
    %swap3A_320 = vector.load %arg5[%swap3A_318, %swap3A_319] : memref<1024x8192xbf16, #tpu.memory_space<vmem>>, vector<1024x128xbf16>
    tpu.vector_store %arg5[%swap3A_318, %swap3A_319], %mul3A_317 {strides = array<i32>} : memref<1024x8192xbf16, #tpu.memory_space<vmem>>, vector<1024x128xbf16>,
    %slice3A_321 = vector.extract_strided_slice %convert_element_type3A_5 {offsets = [0, 53], sizes = [1024, 1], strides = [1, 1]} : vector<1024x128xbf16> to vector<1024x1xbf16>
    %mul3A_322 = vector.broadcast %slice3A_321 : vector<1024x1xbf16> to vector<1024x128xbf16>
    %mul3A_323 = arith.mulf %convert_element_type3A, %mul3A_322 : vector<1024x128xbf16>
    %swap3A_324 = arith.constant 0 : index
    %swap3A_325 = arith.constant 6784 : index
    %swap3A_326 = vector.load %arg5[%swap3A_324, %swap3A_325] : memref<1024x8192xbf16, #tpu.memory_space<vmem>>, vector<1024x128xbf16>
    tpu.vector_store %arg5[%swap3A_324, %swap3A_325], %mul3A_323 {strides = array<i32>} : memref<1024x8192xbf16, #tpu.memory_space<vmem>>, vector<1024x128xbf16>,
    %slice3A_327 = vector.extract_strided_slice %convert_element_type3A_5 {offsets = [0, 54], sizes = [1024, 1], strides = [1, 1]} : vector<1024x128xbf16> to vector<1024x1xbf16>
    %mul3A_328 = vector.broadcast %slice3A_327 : vector<1024x1xbf16> to vector<1024x128xbf16>
    %mul3A_329 = arith.mulf %convert_element_type3A, %mul3A_328 : vector<1024x128xbf16>
    %swap3A_330 = arith.constant 0 : index
    %swap3A_331 = arith.constant 6912 : index
    %swap3A_332 = vector.load %arg5[%swap3A_330, %swap3A_331] : memref<1024x8192xbf16, #tpu.memory_space<vmem>>, vector<1024x128xbf16>
    tpu.vector_store %arg5[%swap3A_330, %swap3A_331], %mul3A_329 {strides = array<i32>} : memref<1024x8192xbf16, #tpu.memory_space<vmem>>, vector<1024x128xbf16>,
    %slice3A_333 = vector.extract_strided_slice %convert_element_type3A_5 {offsets = [0, 55], sizes = [1024, 1], strides = [1, 1]} : vector<1024x128xbf16> to vector<1024x1xbf16>
    %mul3A_334 = vector.broadcast %slice3A_333 : vector<1024x1xbf16> to vector<1024x128xbf16>
    %mul3A_335 = arith.mulf %convert_element_type3A, %mul3A_334 : vector<1024x128xbf16>
    %swap3A_336 = arith.constant 0 : index
    %swap3A_337 = arith.constant 7040 : index
    %swap3A_338 = vector.load %arg5[%swap3A_336, %swap3A_337] : memref<1024x8192xbf16, #tpu.memory_space<vmem>>, vector<1024x128xbf16>
    tpu.vector_store %arg5[%swap3A_336, %swap3A_337], %mul3A_335 {strides = array<i32>} : memref<1024x8192xbf16, #tpu.memory_space<vmem>>, vector<1024x128xbf16>,
    %slice3A_339 = vector.extract_strided_slice %convert_element_type3A_5 {offsets = [0, 56], sizes = [1024, 1], strides = [1, 1]} : vector<1024x128xbf16> to vector<1024x1xbf16>
    %mul3A_340 = vector.broadcast %slice3A_339 : vector<1024x1xbf16> to vector<1024x128xbf16>
    %mul3A_341 = arith.mulf %convert_element_type3A, %mul3A_340 : vector<1024x128xbf16>
    %swap3A_342 = arith.constant 0 : index
    %swap3A_343 = arith.constant 7168 : index
    %swap3A_344 = vector.load %arg5[%swap3A_342, %swap3A_343] : memref<1024x8192xbf16, #tpu.memory_space<vmem>>, vector<1024x128xbf16>
    tpu.vector_store %arg5[%swap3A_342, %swap3A_343], %mul3A_341 {strides = array<i32>} : memref<1024x8192xbf16, #tpu.memory_space<vmem>>, vector<1024x128xbf16>,
    %slice3A_345 = vector.extract_strided_slice %convert_element_type3A_5 {offsets = [0, 57], sizes = [1024, 1], strides = [1, 1]} : vector<1024x128xbf16> to vector<1024x1xbf16>
    %mul3A_346 = vector.broadcast %slice3A_345 : vector<1024x1xbf16> to vector<1024x128xbf16>
    %mul3A_347 = arith.mulf %convert_element_type3A, %mul3A_346 : vector<1024x128xbf16>
    %swap3A_348 = arith.constant 0 : index
    %swap3A_349 = arith.constant 7296 : index
    %swap3A_350 = vector.load %arg5[%swap3A_348, %swap3A_349] : memref<1024x8192xbf16, #tpu.memory_space<vmem>>, vector<1024x128xbf16>
    tpu.vector_store %arg5[%swap3A_348, %swap3A_349], %mul3A_347 {strides = array<i32>} : memref<1024x8192xbf16, #tpu.memory_space<vmem>>, vector<1024x128xbf16>,
    %slice3A_351 = vector.extract_strided_slice %convert_element_type3A_5 {offsets = [0, 58], sizes = [1024, 1], strides = [1, 1]} : vector<1024x128xbf16> to vector<1024x1xbf16>
    %mul3A_352 = vector.broadcast %slice3A_351 : vector<1024x1xbf16> to vector<1024x128xbf16>
    %mul3A_353 = arith.mulf %convert_element_type3A, %mul3A_352 : vector<1024x128xbf16>
    %swap3A_354 = arith.constant 0 : index
    %swap3A_355 = arith.constant 7424 : index
    %swap3A_356 = vector.load %arg5[%swap3A_354, %swap3A_355] : memref<1024x8192xbf16, #tpu.memory_space<vmem>>, vector<1024x128xbf16>
    tpu.vector_store %arg5[%swap3A_354, %swap3A_355], %mul3A_353 {strides = array<i32>} : memref<1024x8192xbf16, #tpu.memory_space<vmem>>, vector<1024x128xbf16>,
    %slice3A_357 = vector.extract_strided_slice %convert_element_type3A_5 {offsets = [0, 59], sizes = [1024, 1], strides = [1, 1]} : vector<1024x128xbf16> to vector<1024x1xbf16>
    %mul3A_358 = vector.broadcast %slice3A_357 : vector<1024x1xbf16> to vector<1024x128xbf16>
    %mul3A_359 = arith.mulf %convert_element_type3A, %mul3A_358 : vector<1024x128xbf16>
    %swap3A_360 = arith.constant 0 : index
    %swap3A_361 = arith.constant 7552 : index
    %swap3A_362 = vector.load %arg5[%swap3A_360, %swap3A_361] : memref<1024x8192xbf16, #tpu.memory_space<vmem>>, vector<1024x128xbf16>
    tpu.vector_store %arg5[%swap3A_360, %swap3A_361], %mul3A_359 {strides = array<i32>} : memref<1024x8192xbf16, #tpu.memory_space<vmem>>, vector<1024x128xbf16>,
    %slice3A_363 = vector.extract_strided_slice %convert_element_type3A_5 {offsets = [0, 60], sizes = [1024, 1], strides = [1, 1]} : vector<1024x128xbf16> to vector<1024x1xbf16>
    %mul3A_364 = vector.broadcast %slice3A_363 : vector<1024x1xbf16> to vector<1024x128xbf16>
    %mul3A_365 = arith.mulf %convert_element_type3A, %mul3A_364 : vector<1024x128xbf16>
    %swap3A_366 = arith.constant 0 : index
    %swap3A_367 = arith.constant 7680 : index
    %swap3A_368 = vector.load %arg5[%swap3A_366, %swap3A_367] : memref<1024x8192xbf16, #tpu.memory_space<vmem>>, vector<1024x128xbf16>
    tpu.vector_store %arg5[%swap3A_366, %swap3A_367], %mul3A_365 {strides = array<i32>} : memref<1024x8192xbf16, #tpu.memory_space<vmem>>, vector<1024x128xbf16>,
    %slice3A_369 = vector.extract_strided_slice %convert_element_type3A_5 {offsets = [0, 61], sizes = [1024, 1], strides = [1, 1]} : vector<1024x128xbf16> to vector<1024x1xbf16>
    %mul3A_370 = vector.broadcast %slice3A_369 : vector<1024x1xbf16> to vector<1024x128xbf16>
    %mul3A_371 = arith.mulf %convert_element_type3A, %mul3A_370 : vector<1024x128xbf16>
    %swap3A_372 = arith.constant 0 : index
    %swap3A_373 = arith.constant 7808 : index
    %swap3A_374 = vector.load %arg5[%swap3A_372, %swap3A_373] : memref<1024x8192xbf16, #tpu.memory_space<vmem>>, vector<1024x128xbf16>
    tpu.vector_store %arg5[%swap3A_372, %swap3A_373], %mul3A_371 {strides = array<i32>} : memref<1024x8192xbf16, #tpu.memory_space<vmem>>, vector<1024x128xbf16>,
    %slice3A_375 = vector.extract_strided_slice %convert_element_type3A_5 {offsets = [0, 62], sizes = [1024, 1], strides = [1, 1]} : vector<1024x128xbf16> to vector<1024x1xbf16>
    %mul3A_376 = vector.broadcast %slice3A_375 : vector<1024x1xbf16> to vector<1024x128xbf16>
    %mul3A_377 = arith.mulf %convert_element_type3A, %mul3A_376 : vector<1024x128xbf16>
    %swap3A_378 = arith.constant 0 : index
    %swap3A_379 = arith.constant 7936 : index
    %swap3A_380 = vector.load %arg5[%swap3A_378, %swap3A_379] : memref<1024x8192xbf16, #tpu.memory_space<vmem>>, vector<1024x128xbf16>
    tpu.vector_store %arg5[%swap3A_378, %swap3A_379], %mul3A_377 {strides = array<i32>} : memref<1024x8192xbf16, #tpu.memory_space<vmem>>, vector<1024x128xbf16>,
    %slice3A_381 = vector.extract_strided_slice %convert_element_type3A_5 {offsets = [0, 63], sizes = [1024, 1], strides = [1, 1]} : vector<1024x128xbf16> to vector<1024x1xbf16>
    %mul3A_382 = vector.broadcast %slice3A_381 : vector<1024x1xbf16> to vector<1024x128xbf16>
    %mul3A_383 = arith.mulf %convert_element_type3A, %mul3A_382 : vector<1024x128xbf16>
    %swap3A_384 = arith.constant 0 : index
    %swap3A_385 = arith.constant 8064 : index
    %swap3A_386 = vector.load %arg5[%swap3A_384, %swap3A_385] : memref<1024x8192xbf16, #tpu.memory_space<vmem>>, vector<1024x128xbf16>
    tpu.vector_store %arg5[%swap3A_384, %swap3A_385], %mul3A_383 {strides = array<i32>} : memref<1024x8192xbf16, #tpu.memory_space<vmem>>, vector<1024x128xbf16>,
    %get3A_387 = arith.constant 0 : index
    %get3A_388 = arith.constant 0 : index
    %get3A_389 = vector.load %arg3[%get3A_387, %get3A_388] : memref<8192x128xf32, #tpu.memory_space<vmem>>, vector<8192x128xf32>
    %convert_element_type3A_390 = arith.truncf %get3A_389 : vector<8192x128xf32> to vector<8192x128xbf16>
    %swap3A_391 = arith.constant 0 : index
    %swap3A_392 = arith.constant 0 : index
    %swap3A_393 = vector.load %arg6[%swap3A_391, %swap3A_392] : memref<8192x128xbf16, #tpu.memory_space<vmem>>, vector<8192x128xbf16>
    tpu.vector_store %arg6[%swap3A_391, %swap3A_392], %convert_element_type3A_390 {strides = array<i32>} : memref<8192x128xbf16, #tpu.memory_space<vmem>>, vector<8192x128xbf16>,
    %get3A_394 = arith.constant 0 : index
    %get3A_395 = arith.constant 0 : index
    %get3A_396 = vector.load %arg5[%get3A_394, %get3A_395] : memref<1024x8192xbf16, #tpu.memory_space<vmem>>, vector<1024x8192xbf16>
    %get3A_397 = arith.constant 0 : index
    %get3A_398 = arith.constant 0 : index
    %get3A_399 = vector.load %arg6[%get3A_397, %get3A_398] : memref<8192x128xbf16, #tpu.memory_space<vmem>>, vector<8192x128xbf16>
    %dot_general3A = arith.constant dense<0.000000e+00> : vector<1024x128xf32>
    %dot_general3A_400 = tpu.matmul %get3A_396, %get3A_399, %dot_general3A {dimension_numbers = #tpu.dot_dimension_numbers<[1], [0], [0], [1], [0, 0, 1, 1], [], []>, transpose_lhs_hint = false} : vector<1024x8192xbf16>, vector<8192x128xbf16>, vector<1024x128xf32> -> vector<1024x128xf32>
    %ge3A = arith.constant 0.000000e+00 : f32
    %ge3A_401 = vector.broadcast %ge3A : f32 to vector<1024x128xf32>
    %ge3A_402 = arith.cmpf oge, %dot_general3A_400, %ge3A_401 : vector<1024x128xf32>
    %mul3A_403 = arith.constant 0.00999999977 : f32
    %mul3A_404 = vector.broadcast %mul3A_403 : f32 to vector<1024x128xf32>
    %mul3A_405 = arith.mulf %mul3A_404, %dot_general3A_400 : vector<1024x128xf32>
    %select_n3A = arith.select %ge3A_402, %dot_general3A_400, %mul3A_405 : vector<1024x128xi1>, vector<1024x128xf32>
    %swap3A_406 = arith.constant 0 : index
    %swap3A_407 = arith.constant 0 : index
    %swap3A_408 = vector.load %arg4[%swap3A_406, %swap3A_407] : memref<1024x128xf32, #tpu.memory_space<vmem>>, vector<1024x128xf32>
    tpu.vector_store %arg4[%swap3A_406, %swap3A_407], %select_n3A {strides = array<i32>} : memref<1024x128xf32, #tpu.memory_space<vmem>>, vector<1024x128xf32>,
    return
  }
  func.func @transform_0(%arg0: i32) -> (i32, i32) {
    %c0_i32 = arith.constant 0 : i32
    %c0_i32_0 = arith.constant 0 : i32
    %c0_i32_1 = arith.constant 0 : i32
    return %c0_i32, %c0_i32_0 : i32, i32
  }
  func.func @transform_1(%arg0: i32) -> (i32, i32) {
    %c0_i32 = arith.constant 0 : i32
    %c0_i32_0 = arith.constant 0 : i32
    %c0_i32_1 = arith.constant 0 : i32
    return %c0_i32, %c0_i32_0 : i32, i32
  }
  func.func @transform_2(%arg0: i32) -> (i32, i32) {
    %c0_i32 = arith.constant 0 : i32
    %c0_i32_0 = arith.constant 0 : i32
    %c0_i32_1 = arith.constant 0 : i32
    return %c0_i32, %c0_i32_0 : i32, i32
  }
  func.func @transform_3(%arg0: i32) -> (i32, i32) {
    %c0_i32 = arith.constant 0 : i32
    %c0_i32_0 = arith.constant 0 : i32
    %c0_i32_1 = arith.constant 0 : i32
    return %c0_i32, %c0_i32_0 : i32, i32
  }
}

</mosaic_0001>

<sc_bundles>
// kernel: kernel.4.cloned.1.call-start
scs
__scs_entry_jumppad:
0x0: {  	(pc) =	sbr.rel $0x88, $3  }
0x1: {  	(tag) =	ssettag $0x0;
	lr =	simm.s32 $0x1  }
0x2: {  	[smem:$0x3F9E] =	sst lr;
	_ =	strace $0xD0000000  }
0x3: {  	_ = 	snop  }
0x4: {  	_ = 	snop  }
0x5: {  	_ = 	snop  }
0x6: {  	_ = 	snop  }
0x7: {  	_ = 	snop  }
__scs_overlays_trampoline_lowered:
0x8: {  	[smem:$0x3FAD] =	sst s0  }
0x9: {  	[smem:$0x3FAE] =	sst s1  }
0xa: {  	[smem:$0x3FAF] =	sst s2  }
0xb: {  	[smem:$0x3FB0] =	sst s3  }
0xc: {  	[smem:$0x3FB1] =	sst s4  }
0xd: {  	[smem:$0x3FB2] =	sst s5  }
0xe: {  	[smem:$0x3FB3] =	sst s6  }
0xf: {  	[smem:$0x3FB4] =	sst s7  }
0x10: {  	[smem:$0x3FB5] =	sst s8  }
0x11: {  	[smem:$0x3FB6] =	sst s9;
	s0 =	simm.s32 @!p0 $0x0  }
0x12: {  	s1 =	sld [smem:$0x3F9C];
	s0 =	simm.s32 @p0 $0x1  }
0x13: {  	[smem:$0x3FB7] =	sst s0;
	s0 =	simm.s32 @!p1 $0x0  }
0x14: {  	s2 =	sld [smem:$0x3F9B];
	s0 =	simm.s32 @p1 $0x1  }
0x15: {  	[smem:$0x3FB8] =	sst s0;
	s0 =	simm.s32 @!p2 $0x0  }
0x16: {  	s3 =	sld [smem:$0x3FDB];
	s0 =	simm.s32 @p2 $0x1  }
0x17: {  	s4 =	simm.s32 $0x1BF5;
	[smem:$0x3FBA] =	sst s0  }
0x18: {  	s0 =	sld [smem:$0x3F9D];
	_ =	swait.ge [sflag:s4], $0x0  }
0x19: {  	s7 =	sld [smem:$0x3F9E]  }
0x1a: {  	s8 =	sadd.s32 $0xFFFFE003, lr  }
0x1b: {  	s9 =	sadd.s32 $0xFFFFFEF7, lr;
	s5 =	simm.s32 $0xFFFFFFFF;
	p2 =	slt.u32 s8, $0xFFFFF086  }
0x1c: {  	p1 =	slt.u32 s9, $0xF7A;
	s5 =	simm.s32 @!p2 $0x0  }
0x1d: {  	s5 =	simm.s32 @p1 $0x1;
	p0 =	seq.s32 s7, s2  }
0x1e: {  	s7 =	smul.u32 @!p0 $0xF7A, s2;
	p2 =	seq.s32 @!p0 s5, $0x0  }
0x1f: {  	s9 =	smul.u32 $0xF7A, s1;
	s8 =	simm.s32 @!p0 $0x1BF5;
	p2 =	por !p2, p0  }
0x20: {  	[sflag:s8] =	ssyncset.s32 @!p0 $0xFFFFF086;
	s6 =	sadd.s32 @!p0 s3, s7;
	s7 =	simm.s32 @!p0 $0x108  }
0x21: {  	s3 =	sadd.s32 s3, s9;
	s6 =	sadd.s32 @!p0 $0x88, s6;
	s7 =	simm.s32 @p2 $0x1082  }
0x22: {  	[simem:s7], [sflag:s8] =	dma.local @!p0 [hbm:s6], $0xF7A  }
0x23: {  	s9 =	sor.u32 $0xD0000000, s2;
	s6 =	simm.s32 $0x108;
	_ =	swait.ge @!p0 [sflag:s8], $0x0  }
0x24: {  	s3 =	sadd.s32 $0x88, s3;
	s6 =	simm.s32 @!p1 $0x1082;
	[sflag:s4] =	ssyncset.s32 $0xFFFFF086  }
0x25: {  	[simem:s6], [sflag:s4] =	dma.local [hbm:s3], $0xF7A  }
0x26: {  	[smem:$0x3F9E] =	sst s1;
	(tag) =	ssettag s2;
	_ =	strace s9  }
0x27: {  	s1 =	sld [smem:$0x3FAE]  }
0x28: {  	s2 =	sld [smem:$0x3FAF]  }
0x29: {  	s4 =	sld [smem:$0x3FB1]  }
0x2a: {  	p0 =	seq.s32 s5, $0x0;
	s5 =	sld [smem:$0x3FB2]  }
0x2b: {  	s6 =	sld [smem:$0x3FB3]  }
0x2c: {  	s7 =	sld [smem:$0x3FB4]  }
0x2d: {  	s3 =	simm.s32 $0x108;
	s8 =	sld [smem:$0x3FB5]  }
0x2e: {  	s3 =	simm.s32 @!p0 $0x1082;
	s9 =	sld [smem:$0x3FB6]  }
0x2f: {  	lr =	sadd.s32 s0, s3;
	s0 =	sld [smem:$0x3FAD]  }
0x30: {  	s3 =	sld [smem:$0x3FB0]  }
0x31: {  	[smem:$0x3FB9] =	sst s10  }
0x32: {  	s10 =	sld [smem:$0x3FB7];
	_ =	sdelay $0x3  }
0x33: {  	p0 =	seq.s32 s10, $0x1;
	s10 =	sld [smem:$0x3FB9];
	_ =	sdelay $0x3  }
0x34: {  	[smem:$0x3FB9] =	sst s10  }
0x35: {  	s10 =	sld [smem:$0x3FB8];
	_ =	sdelay $0x3  }
0x36: {  	p1 =	seq.s32 s10, $0x1;
	s10 =	sld [smem:$0x3FB9];
	_ =	sdelay $0x3  }
0x37: {  	[smem:$0x3FB9] =	sst s10  }
0x38: {  	s10 =	sld [smem:$0x3FBA]  }
0x39: {  	_ = 	snop;
	(pc) =	sbr.ind lr, $3  }
0x3a: {  	_ = 	snop  }
0x3b: {  	_ = 	snop  }
0x3c: {  	p2 =	seq.s32 s10, $0x1;
	s10 =	sld [smem:$0x3FB9]  }
0x3d: {  	_ =	shalt  }
0x3e: {  	_ =	shalt  }
0x3f: {  	_ =	shalt  }
0x40: {  	_ =	shalt  }
0x41: {  	_ =	shalt  }
0x42: {  	_ =	shalt  }
0x43: {  	_ =	shalt  }
0x44: {  	_ =	shalt  }
0x45: {  	_ =	shalt  }
0x46: {  	_ =	shalt  }
0x47: {  	_ =	shalt  }
0x48: {  	_ =	shalt  }
0x49: {  	_ =	shalt  }
0x4a: {  	_ =	shalt  }
0x4b: {  	_ =	shalt  }
0x4c: {  	_ =	shalt  }
0x4d: {  	_ =	shalt  }
0x4e: {  	_ =	shalt  }
0x4f: {  	_ =	shalt  }
0x50: {  	_ =	shalt  }
0x51: {  	_ =	shalt  }
0x52: {  	_ =	shalt  }
0x53: {  	_ =	shalt  }
0x54: {  	_ =	shalt  }
0x55: {  	_ =	shalt  }
0x56: {  	_ =	shalt  }
0x57: {  	_ =	shalt  }
0x58: {  	_ =	shalt  }
0x59: {  	_ =	shalt  }
0x5a: {  	_ =	shalt  }
0x5b: {  	_ =	shalt  }
0x5c: {  	_ =	shalt  }
0x5d: {  	_ =	shalt  }
0x5e: {  	_ =	shalt  }
0x5f: {  	_ =	shalt  }
0x60: {  	_ =	shalt  }
0x61: {  	_ =	shalt  }
0x62: {  	_ =	shalt  }
0x63: {  	_ =	shalt  }
0x64: {  	_ =	shalt  }
0x65: {  	_ =	shalt  }
0x66: {  	_ =	shalt  }
0x67: {  	_ =	shalt  }
0x68: {  	_ =	shalt  }
0x69: {  	_ =	shalt  }
0x6a: {  	_ =	shalt  }
0x6b: {  	_ =	shalt  }
0x6c: {  	_ =	shalt  }
0x6d: {  	_ =	shalt  }
0x6e: {  	_ =	shalt  }
0x6f: {  	_ =	shalt  }
0x70: {  	_ =	shalt  }
0x71: {  	_ =	shalt  }
0x72: {  	_ =	shalt  }
0x73: {  	_ =	shalt  }
0x74: {  	_ =	shalt  }
0x75: {  	_ =	shalt  }
0x76: {  	_ =	shalt  }
0x77: {  	_ =	shalt  }
0x78: {  	_ =	shalt  }
0x79: {  	_ =	shalt  }
0x7a: {  	_ =	shalt  }
0x7b: {  	_ =	shalt  }
0x7c: {  	_ =	shalt  }
0x7d: {  	_ =	shalt  }
0x7e: {  	_ =	shalt  }
0x7f: {  	_ =	shalt  }
0x80: {  	_ =	shalt  }
0x81: {  	_ =	shalt  }
0x82: {  	_ =	shalt  }
0x83: {  	_ =	shalt  }
0x84: {  	_ =	shalt  }
0x85: {  	_ =	shalt  }
0x86: {  	_ =	shalt  }
0x87: {  	_ =	shalt  }
.Lfunc_end0:
.L_simem_size_0:
called_computation_lowered:
.L_overlay_start_0:
0x88: {  	s2 =	sld [smem:$0x3FD9]  }
0x89: {  	s3 =	sld [smem:$0x3FFE];
	_ =	sdelay $0x1  }
0x8a: {  	s1 =	srdreg.scid  }
0x8b: {  	s0 =	sand.u32 $0x1, s1  }
0x8c: {  	s17 =	sshll.u32 s0, $0xA;
	s2 =	sadd.s32 s3, s2  }
0x8d: {  	s2 =	sadd.s32 s2, s17  }
0x8e: {  	[smem:$0x3FC5] =	sst s2  }
0x8f: {  	_ = 	snop  }
0x90: {  	s2 =	sld [smem:$0x3FD0];
	(tm) =	ssettm $0x1  }
0x91: {  	s18 =	sld [smem:$0x3FFB];
	_ =	sdelay $0x3  }
0x92: {  	_ =	strace s18  }
0x93: {  	s3 =	sld [smem:$0x3FFC];
	_ =	sdelay $0x3  }
0x94: {  	_ =	strace s3  }
0x95: {  	s3 =	sld [smem:$0x3FFD];
	_ =	sdelay $0x3  }
0x96: {  	_ =	strace s3  }
0x97: {  	_ =	strace $0x8FFFFFFF  }
0x98: {  	s19 =	sld [smem:$0x3FDB];
	_ =	sdelay $0x1  }
0x99: {  	s4 =	simm.s32 $_scs_section_size  }
0x9a: {  	s5 =	simm.s32 $_size__tile_overlayer_lowered;
	s6 =	simm.s32 $_tile_overlayer_lowered  }
0x9b: {  	s22 =	simm.s32 $0x1BFF;
	s21 =	sshll.u32 s6, $0x1;
	s3 =	sadd.s32 s4, s19  }
0x9c: {  	s7 =	simm.s32 $0x0;
	s20 =	sshll.u32 s5, $0x1;
	s5 =	sadd.s32 s21, s3  }
0x9d: {  	[timem:s7], [sflag:s22] =	dma.local [hbm:s5], s20  }
0x9e: {  	_ =	swait.ge [sflag:s22], s20  }
0x9f: {  	s4 =	ssub.s32 $0x0, s20;
	[sflag:s22] =	ssyncset.done $0x0  }
0xa0: {  	[sflag:s22] =	ssyncadd.s32 s4;
	_ =	sdelay $0x1  }
0xa1: {  	s23 =	simm.s32 $0x1B8B  }
0xa2: {  	_ =	swait.ge [sflag:s23], $0x1  }
0xa3: {  	[sflag:s23] =	ssyncset.done $0x0  }
0xa4: {  	s25 =	simm.s32 $0x1B8E;
	s24 =	sld [smem:$0x3FFE];
	[sflag:s23] =	ssyncadd.s32 $0xFFFFFFFF  }
0xa5: {  	s26 =	simm.s32 $execute0_lowered;
	[smem:$0x3FD2] =	sst s25  }
0xa6: {  	s5 =	sshll.u32 s26, $0x1;
	_ =	strace $0x80000046;
	[dreg:$0x1] =	wrdreg $0xFFFFFFFF  }
0xa7: {  	s28 =	simm.s32 $_size_execute0_lowered;
	s3 =	sadd.s32 s3, s5;
	[dreg:$0x0] =	wrdreg $0x0  }
0xa8: {  	s5 =	sshll.u32 s28, $0x1;
	[dreg:$0x2] =	wrdreg s3  }
0xa9: {  	[dreg:$0x3] =	wrdreg s5  }
0xaa: {  	[dreg:$0x4] =	wrdreg $0xC0  }
0xab: {  	_ =	task [dreg:s7], $0x5FFFF  }
0xac: {  	[dreg:$0x1] =	wrdreg $0xFFFFFFFF  }
0xad: {  	[dreg:$0x0] =	wrdreg $0x60  }
0xae: {  	[dreg:$0x2] =	wrdreg s24  }
0xaf: {  	[dreg:$0x3] =	wrdreg s2  }
0xb0: {  	[dreg:$0x4] =	wrdreg $0x9  }
0xb1: {  	_ =	task.clear_ibuf [dreg:s7], $0x5FFFF;
	_ =	strace $0x90000046  }
0xb2: {  	s29 =	simm.s32 $0x9;
	_ =	strace $0x80000048  }
0xb3: {  	_ =	swait.ge [sflag:s29], $0x1  }
0xb4: {  	[sflag:s29] =	ssyncadd.s32 $0xFFFFFFFF  }
0xb5: {  	_ =	strace $0x90000048  }
0xb6: {  	_ =	sfence  }
0xb7: {  	s30 =	sld [smem:$0x0];
	_ =	sdelay $0x2  }
0xb8: {  	s31 =	sshll.u32 s1, $0xD;
	s1 =	sshrl.u32 s1, $0x2  }
0xb9: {  	s3 =	sand.u32 $0x4000, s31;
	s1 =	sadd.s32 s1, s30  }
0xba: {  	s0 =	sor.u32 s3, s0;
	s1 =	sshll.u32 s1, $0x11  }
0xbb: {  	s0 =	sor.u32 s1, s0  }
0xbc: {  	s0 =	sadd.s32 $0x8F2B, s0  }
0xbd: {  	[sflag:s0] =	ssyncadd.remote.s32 $0x1  }
0xbe: {  	_ =	sfence.sel $0xFFFF  }
0xbf: {  	[dreg:$0x0] =	wrdreg $0xFFFFFFFF;
	(pc) =	sbr.abs _section_cstart, $3  }
0xc0: {  	[dreg:$0x1] =	wrdreg $0xFFFFFFFF  }
0xc1: {  	_ =	task.clear_ibuf [dreg:s7], $0x2FFFF;
	_ =	strace $0x9FFFFFFF  }
0xc2: {  	(tm) =	ssettm $0x7FFFFFFF  }
0xc3: {  	_ =	shalt  }
tec
execute0_lowered:
.L_overlay_start_1:
0x0: {  	(tag) =	ssettag $0x1  }
0x1: {  	s3 =	rddreg [dreg:$0x0];
	s1 =	srdreg.scid  }
0x2: {  	s0 =	stileid.u32;
	s4 =	rddreg [dreg:$0x1];
	s2 =	simm.s32 $0x0  }
0x3: {  	s5 =	sand.u32 $0x1, s1;
	s6 =	sshll.u32 s0, $0x1;
	s1 =	rddreg [dreg:$0x2]  }
0x4: {  	v3 =	vlaneseq.u32;
	[smem:$0x7FF] =	sst s2;
	s6 =	sor.u32 s5, s6;
	s5 =	ssub.s32 $0x2, s5  }
0x5: {  	v0 =	vmul.u32 $0x3, v3;
	s7 =	smul.u32 $0xC, s6;
	s8 =	sshrl.u32 s5, $0x1;
	s6 =	sshll.u32 s6, $0x9  }
0x6: {  	v1 =	vimm.f32 $0.0e+00;
	v5 =	vimm.f32 $1.000000000e+00;
	v3 =	vmul.u32 $0x80, v3;
	_ =	strace $0x80000047;
	s5 =	ssub.s32 s5, s8;
	s4 =	sadd.s32 s4, s6  }
0x7: {  	v2 =	vadd.s32 $0x1, v0;
	v4 =	vadd.s32 $0x2, v0;
	v6 =	vadd.s32 $0x30, v0;
	s6 =	simm.s32 $0x1;
	s8 =	simm.s32 $0x0;
	s3 =	sadd.s32 s7, s3  }
0x8: {  	v7 =	vadd.s32 $0x31, v0;
	v8 =	vadd.s32 $0x32, v0;
	v9 =	vor.u32 $0x800, v3;
	s5 =	smax.u32 s5, $0x1;
	s7 =	simm.s32 $0x80;
	s3 =	sadd.s32 $0xA00, s3  }
.LBB2_1:
0x9: {  	[tilespmem:s2], [sflag:$0x1] =	stream.linear.gather [hbm4b:s3+s2], $0x60, $0x38;
	[tilespmem:$0x1080] =	vst v63  }
0xa: {  	_ =	swait.ge [sflag:s6], $0x60  }
0xb: {  	[sflag:s6] =	ssyncset.done $0x0  }
0xc: {  	s9 =	simm.s32 $0x0;
	s10 =	simm.s32 $0x200;
	[sflag:s6] =	ssyncadd.s32 $0xFFFFFFA0  }
.LBB2_2:
0xd: {  	p0 =	sne.s32 s10, $0x3E00;
	[tilespmem:s9+$0xF0] =	vst v1  }
0xe: {  	[tilespmem:s9+$0x80] =	vst v1  }
0xf: {  	[tilespmem:s9+$0x90] =	vst v1  }
.Ltmp0:
0x10: {  	[tilespmem:s9+$0xA0] =	vst v1;
	(pc) =	sbr.rel @p0 .LBB2_2-.Ltmp0, $4  }
0x11: {  	[tilespmem:s9+$0xB0] =	vst v1  }
0x12: {  	[tilespmem:s9+$0xC0] =	vst v1  }
0x13: {  	[tilespmem:s9+$0xD0] =	vst v1  }
0x14: {  	[tilespmem:s9+$0xE0] =	vst v1;
	s9 =	sshra.s32 s10, $0x2;
	s10 =	sadd.s32 $0x200, s10  }
0x15: {  	[tilespmem:s9+$0xF0] =	vst v1  }
0x16: {  	[tilespmem:s9+$0x80] =	vst v1  }
0x17: {  	[tilespmem:s9+$0x90] =	vst v1  }
0x18: {  	[tilespmem:s9+$0xA0] =	vst v1  }
0x19: {  	[tilespmem:s9+$0xB0] =	vst v1  }
0x1a: {  	[tilespmem:s9+$0xC0] =	vst v1  }
0x1b: {  	[tilespmem:s9+$0xD0] =	vst v1  }
0x1c: {  	[tilespmem:s9+$0xE0] =	vst v1  }
0x1d: {  	v10 =	vld.idx.msk [tilespmem:v0+s2+$0x0], $0xffff  }
0x1e: {  	v11 =	vld.idx.msk [tilespmem:v2+s2+$0x0], $0xffff;
	_ =	sdelay $0x1  }
0x1f: {  	v12 =	vld.idx.msk [tilespmem:v4+s2+$0x0], $0xffff;
	_ =	sdelay $0x2  }
0x20: {  	vm0 =	veq.s32 v10, $0x0;
	vm1 =	veq.s32 v11, $0x0  }
0x21: {  	v13 =	vsel vm0, $0x0, v5;
	v14 =	vsel vm1, $0x0, v5  }
0x22: {  	vm2 =	veq.s32 v12, $0x0;
	v13 =	vadd.f32 v14, v13  }
0x23: {  	v58 =	vsel vm2, $0x0, v5  }
0x24: {  	v13 =	vadd.f32 v58, v13;
	_ =	sdelay $0x1  }
0x25: {  	v13 =	vmax.f32 v13, $1.000000000e+00  }
0x26: {  	(erf) = vrcp.f32 v13;
	_ =	sdelay $0x5  }
0x27: {  	v10 =	vadd.s32 v3, v10  }
0x28: {  	v11 =	vadd.s32 v3, v11  }
0x29: {  	v12 =	vadd.s32 v3, v12  }
0x2a: {  	v13 =	vpop (erf)  }
0x2b: {  	v59 =	vsel vm0, $0x0, v13  }
0x2c: {  	[tilespmem:v10+s7+$0x0] =	vst.idx.add.f32.msk $0xffff, v59;
	v10 =	vsel vm1, $0x0, v13  }
0x2d: {  	[tilespmem:v11+s7+$0x0] =	vst.idx.add.f32.msk $0xffff, v10;
	v10 =	vsel vm2, $0x0, v13  }
0x2e: {  	[tilespmem:v12+s7+$0x0] =	vst.idx.add.f32.msk $0xffff, v10  }
0x2f: {  	v10 =	vld.idx.msk [tilespmem:v6+s2+$0x0], $0xffff  }
0x30: {  	v11 =	vld.idx.msk [tilespmem:v7+s2+$0x0], $0xffff;
	_ =	sdelay $0x1  }
0x31: {  	v12 =	vld.idx.msk [tilespmem:v8+s2+$0x0], $0xffff;
	_ =	sdelay $0x2  }
0x32: {  	vm13 =	veq.s32 v10, $0x0;
	vm14 =	veq.s32 v11, $0x0  }
0x33: {  	v60 =	vsel vm13, $0x0, v5;
	v61 =	vsel vm14, $0x0, v5  }
0x34: {  	vm15 =	veq.s32 v12, $0x0;
	v13 =	vadd.f32 v61, v60  }
0x35: {  	v62 =	vsel vm15, $0x0, v5  }
0x36: {  	v13 =	vadd.f32 v62, v13;
	_ =	sdelay $0x1  }
0x37: {  	v13 =	vmax.f32 v13, $1.000000000e+00  }
0x38: {  	(erf) = vrcp.f32 v13;
	_ =	sdelay $0x5  }
0x39: {  	v10 =	vadd.s32 v9, v10  }
0x3a: {  	v11 =	vadd.s32 v9, v11  }
0x3b: {  	v12 =	vadd.s32 v9, v12  }
0x3c: {  	v13 =	vpop (erf)  }
0x3d: {  	v63 =	vsel vm13, $0x0, v13  }
0x3e: {  	s8 =	sadd.s32 $0x1, s8;
	[tilespmem:v10+s7+$0x0] =	vst.idx.add.f32.msk $0xffff, v63;
	v10 =	vsel vm14, $0x0, v13  }
0x3f: {  	p0 =	sne.s32 s8, s5;
	[tilespmem:v11+s7+$0x0] =	vst.idx.add.f32.msk $0xffff, v10;
	v10 =	vsel vm15, $0x0, v13  }
.Ltmp1:
0x40: {  	[tilespmem:v12+s7+$0x0] =	vst.idx.add.f32.msk $0xffff, v10;
	(pc) =	sbr.rel @p0 .LBB2_1-.Ltmp1, $4  }
0x41: {  	[hbm4b:s4+s2] =	stream.linear.scatter [tilespmem:s7], [sflag:$0x1], $0x1000, $0x38;
	[tilespmem:$0x1080] =	vst v63  }
0x42: {  	_ =	swait.ge [sflag:s6], $0x1000  }
0x43: {  	[sflag:s6] =	ssyncset.done $0x0  }
0x44: {  	[sflag:s6] =	ssyncadd.s32 $0xFFFFF000  }
0x45: {  	_ =	sfence.sel $0x180000  }
0x46: {  	[bflag:$0x0] =	sbarrier.arrive $0xFFFF  }
0x47: {  	p0 =	sne.s32 s0, $0x0;
	_ =	strace $0x90000047  }
0x48: {  	s0 =	sadd.s32 @!p0 $0x100000, s1;
	[bflag:$0x2] =	sbarrier.arrive $0xFFFF  }
0x49: {  	[sflag:s0] =	ssyncadd.tile.s32 @!p0 $0x1;
	_ =	shalt  }
.Lfunc_end2:
_tile_overlayer_lowered:
.L_overlay_start_2:
0x4a: {  	(tag) =	ssettag $0x2  }
0x4b: {  	s0 =	rddreg [dreg:$0x0];
	s2 =	stileid.u32  }
0x4c: {  	s1 =	rddreg [dreg:$0x1];
	p0 =	sne.s32 s2, $0x0  }
0x4d: {  	s3 =	rddreg [dreg:$0x2];
	[bflag:$0x3] =	sbarrier.arrive $0xFFFF;
	s2 =	simm.s32 @!p0 $0x1C01  }
0x4e: {  	[timem:s3], [sflag:s2] =	dma.local @!p0 [hbm:s0], s1  }
0x4f: {  	s0 =	simm.s32 @!p0 $0x1  }
0x50: {  	_ =	swait.ge @!p0 [sflag:s0], s1  }
0x51: {  	s1 =	ssub.s32 @!p0 $0x0, s1;
	[sflag:s0] =	ssyncset.done @!p0 $0x0  }
0x52: {  	[sflag:s0] =	ssyncadd.s32 @!p0 s1  }
0x53: {  	[bflag:$0x3] =	sbarrier.arrive $0xFFFF  }
0x54: {  	_ =	shalt  }

</sc_bundles>
